<compile_context>
chip_gen: v7x
topology: tpu7x:2x2x1
jax: 0.10.2.dev20260603
libtpu: 0.0.44.dev20260713+nightly
codegen_flags: <defaults>
</compile_context>

<pallas_src>
import functools

import jax
import jax.numpy as jnp
from jax import lax
from jax.experimental import pallas as pl
from jax.experimental.pallas import tpu as pltpu
from jax.experimental.pallas import tpu_sc as plsc

_N = 10000
_NP = 10240
_E = 160000
_EP = 163840
_B = 128
_RB = 1000
_NBLK = _N // _RB


@functools.lru_cache(maxsize=None)
def _build():
    mesh = plsc.VectorSubcoreMesh(core_axis_name="c", subcore_axis_name="s",
                                  num_cores=2, num_subcores=16)
    f32 = jnp.float32

    @functools.partial(
        pl.kernel, mesh=mesh,
        out_type=jax.ShapeDtypeStruct((2, _NP, 128), f32),
        scratch_types=[
            pltpu.VMEM((40, _B), jnp.int32),
            pltpu.VMEM((_B, 128), f32),
            pltpu.VMEM_SHARED((_NP, 128), f32),
        ],
    )
    def sc_deg(dst_hbm, ones_hbm, zero_hbm, out_hbm, dst_v, ones_v, acc_sh):
        c = lax.axis_index("c")
        s = lax.axis_index("s")
        w = c * 16 + s
        pltpu.sync_copy(zero_hbm.at[pl.ds(s * 640, 640)],
                        acc_sh.at[pl.ds(s * 640, 640)])
        pltpu.sync_copy(ones_hbm, ones_v)
        pltpu.sync_copy(dst_hbm.at[w], dst_v)
        plsc.subcore_barrier()

        def body(i, _):
            pltpu.sync_copy(ones_v, acc_sh.at[dst_v.at[i]], add=True)
            return 0

        lax.fori_loop(0, 40, body, 0)
        plsc.subcore_barrier()
        pltpu.sync_copy(acc_sh.at[pl.ds(s * 640, 640)],
                        out_hbm.at[c, pl.ds(s * 640, 640)])

    @functools.partial(
        pl.kernel, mesh=mesh,
        out_type=jax.ShapeDtypeStruct((2, _NP, 128), f32),
        scratch_types=[
            pltpu.VMEM((40, _B), jnp.int32),
            pltpu.VMEM((40, _B), jnp.int32),
            pltpu.VMEM_SHARED((_NP, 128), f32),
            pltpu.SemaphoreType.DMA,
            pltpu.SemaphoreType.DMA,
        ],
    )
    def sc_agg1(h_hbm, src_hbm, dst_hbm, zero_hbm, out_hbm,
                src_v, dst_v, acc_sh, sem0, sem1):
        c = lax.axis_index("c")
        s = lax.axis_index("s")
        pltpu.sync_copy(zero_hbm.at[pl.ds(s * 640, 640)],
                        acc_sh.at[pl.ds(s * 640, 640)])
        plsc.subcore_barrier()

        def scoped(rows_v):
            def body(i, _):
                i0 = 2 * i
                pltpu.make_async_copy(h_hbm.at[src_v.at[i0]], rows_v.at[0],
                                      sem0).wait()
                pltpu.sync_copy(rows_v.at[0], acc_sh.at[dst_v.at[i0]],
                                add=True)
                pltpu.async_copy(h_hbm.at[src_v.at[jnp.minimum(i0 + 2, 38)]],
                                 rows_v.at[0], sem0)
                pltpu.make_async_copy(h_hbm.at[src_v.at[i0 + 1]],
                                      rows_v.at[1], sem1).wait()
                pltpu.sync_copy(rows_v.at[1], acc_sh.at[dst_v.at[i0 + 1]],
                                add=True)
                pltpu.async_copy(h_hbm.at[src_v.at[jnp.minimum(i0 + 3, 39)]],
                                 rows_v.at[1], sem1)
                return 0

            for half in range(2):
                pltpu.sync_copy(src_hbm.at[c, s, pl.ds(half * 40, 40)],
                                src_v)
                pltpu.sync_copy(dst_hbm.at[s, pl.ds(half * 40, 40)], dst_v)
                pltpu.async_copy(h_hbm.at[src_v.at[0]], rows_v.at[0], sem0)
                pltpu.async_copy(h_hbm.at[src_v.at[1]], rows_v.at[1], sem1)
                lax.fori_loop(0, 20, body, 0)
                pltpu.make_async_copy(h_hbm.at[src_v.at[38]], rows_v.at[0],
                                      sem0).wait()
                pltpu.make_async_copy(h_hbm.at[src_v.at[39]], rows_v.at[1],
                                      sem1).wait()

        pl.run_scoped(scoped, pltpu.VMEM((2, _B, 128), f32))
        plsc.subcore_barrier()
        pltpu.sync_copy(acc_sh.at[pl.ds(s * 640, 640)],
                        out_hbm.at[c, pl.ds(s * 640, 640)])

    @functools.partial(
        pl.kernel, mesh=mesh,
        compiler_params=pltpu.CompilerParams(use_tc_tiling_on_sc=False),
        out_type=jax.ShapeDtypeStruct((2, _NP, 40), f32),
        scratch_types=[
            pltpu.VMEM((40, _B), jnp.int32),
            pltpu.VMEM((40, _B), jnp.int32),
            pltpu.VMEM_SHARED((_NP, 40), f32),
            pltpu.VMEM_SHARED((_NP, 40), f32),
            pltpu.SemaphoreType.DMA,
            pltpu.SemaphoreType.DMA,
        ],
    )
    def sc_agg2(g_hbm, src_hbm, dst_hbm, zero_hbm, out_hbm,
                src_v, dst_v, tab_sh, acc_sh, sem0, sem1):
        c = lax.axis_index("c")
        s = lax.axis_index("s")
        w = c * 16 + s
        pltpu.sync_copy(zero_hbm.at[pl.ds(s * 640, 640)],
                        acc_sh.at[pl.ds(s * 640, 640)])
        pltpu.sync_copy(g_hbm.at[pl.ds(s * 640, 640)],
                        tab_sh.at[pl.ds(s * 640, 640)])
        pltpu.sync_copy(src_hbm.at[w], src_v)
        pltpu.sync_copy(dst_hbm.at[w], dst_v)
        plsc.subcore_barrier()

        def scoped(rows_v):
            def body(i, _):
                i0 = 2 * i
                pltpu.make_async_copy(tab_sh.at[src_v.at[i0]], rows_v.at[0],
                                      sem0).wait()
                pltpu.sync_copy(rows_v.at[0], acc_sh.at[dst_v.at[i0]],
                                add=True)
                pltpu.async_copy(
                    tab_sh.at[src_v.at[jnp.minimum(i0 + 2, 38)]],
                    rows_v.at[0], sem0)
                pltpu.make_async_copy(tab_sh.at[src_v.at[i0 + 1]],
                                      rows_v.at[1], sem1).wait()
                pltpu.sync_copy(rows_v.at[1], acc_sh.at[dst_v.at[i0 + 1]],
                                add=True)
                pltpu.async_copy(
                    tab_sh.at[src_v.at[jnp.minimum(i0 + 3, 39)]],
                    rows_v.at[1], sem1)
                return 0

            pltpu.async_copy(tab_sh.at[src_v.at[0]], rows_v.at[0], sem0)
            pltpu.async_copy(tab_sh.at[src_v.at[1]], rows_v.at[1], sem1)
            lax.fori_loop(0, 20, body, 0)
            pltpu.make_async_copy(tab_sh.at[src_v.at[38]], rows_v.at[0],
                                  sem0).wait()
            pltpu.make_async_copy(tab_sh.at[src_v.at[39]], rows_v.at[1],
                                  sem1).wait()

        pl.run_scoped(scoped, pltpu.VMEM((2, _B, 40), f32))
        plsc.subcore_barrier()
        pltpu.sync_copy(acc_sh.at[pl.ds(s * 640, 640)],
                        out_hbm.at[c, pl.ds(s * 640, 640)])

    def k1_body(x_ref, w1_ref, deg_ref, out_ref):
        h = jnp.dot(x_ref[...], w1_ref[...], preferred_element_type=f32)
        dsum = deg_ref[0, :, 0] + deg_ref[1, :, 0] + 1.0
        dinv = lax.rsqrt(dsum)[:, None]
        out_ref[0] = h[:, :128] * dinv
        out_ref[1] = h[:, 128:] * dinv

    k1 = pl.pallas_call(
        k1_body,
        grid=(_NBLK,),
        in_specs=[
            pl.BlockSpec((_RB, 256), lambda r: (r, 0)),
            pl.BlockSpec((256, 256), lambda r: (0, 0)),
            pl.BlockSpec((2, _RB, 128), lambda r: (0, r, 0)),
        ],
        out_specs=pl.BlockSpec((2, _RB, 128), lambda r: (0, r, 0)),
        out_shape=jax.ShapeDtypeStruct((2, _N, 128), f32),
    )

    def k2_body(a1_ref, h_ref, deg_ref, b1_ref, z_ref, sum_ref, sq_ref):
        dsum = deg_ref[0, :, 0] + deg_ref[1, :, 0] + 1.0
        dinv = lax.rsqrt(dsum)[:, None]
        z0 = (a1_ref[0] + h_ref[0]) * dinv + b1_ref[0]
        z1 = (a1_ref[1] + h_ref[1]) * dinv + b1_ref[1]
        z_ref[0] = z0
        z_ref[1] = z1
        sum_ref[...] = jnp.stack([jnp.sum(z0, 0), jnp.sum(z1, 0)])[None]
        sq_ref[...] = jnp.stack([jnp.sum(z0 * z0, 0),
                                 jnp.sum(z1 * z1, 0)])[None]

    k2 = pl.pallas_call(
        k2_body,
        grid=(_NBLK,),
        in_specs=[
            pl.BlockSpec((2, _RB, 128), lambda r: (0, r, 0)),
            pl.BlockSpec((2, _RB, 128), lambda r: (0, r, 0)),
            pl.BlockSpec((2, _RB, 128), lambda r: (0, r, 0)),
            pl.BlockSpec((2, 128), lambda r: (0, 0)),
        ],
        out_specs=[
            pl.BlockSpec((2, _RB, 128), lambda r: (0, r, 0)),
            pl.BlockSpec((1, 2, 128), lambda r: (r, 0, 0)),
            pl.BlockSpec((1, 2, 128), lambda r: (r, 0, 0)),
        ],
        out_shape=[
            jax.ShapeDtypeStruct((2, _N, 128), f32),
            jax.ShapeDtypeStruct((_NBLK, 2, 128), f32),
            jax.ShapeDtypeStruct((_NBLK, 2, 128), f32),
        ],
    )

    def k3_body(z_ref, sum_ref, sq_ref, gam_ref, bet_ref, w2_ref, deg_ref,
                out_ref):
        inv_n = 1.0 / _N
        mu = jnp.sum(sum_ref[...], axis=0) * inv_n
        ex2 = jnp.sum(sq_ref[...], axis=0) * inv_n
        sinv = lax.rsqrt(ex2 - mu * mu + 1e-5)
        h0 = jnp.maximum(
            (z_ref[0] - mu[0]) * (sinv[0] * gam_ref[0]) + bet_ref[0], 0.0)
        h1 = jnp.maximum(
            (z_ref[1] - mu[1]) * (sinv[1] * gam_ref[1]) + bet_ref[1], 0.0)
        g = (jnp.dot(h0, w2_ref[0], preferred_element_type=f32)
             + jnp.dot(h1, w2_ref[1], preferred_element_type=f32))
        dsum = deg_ref[0, :, 0] + deg_ref[1, :, 0] + 1.0
        out_ref[...] = g * lax.rsqrt(dsum)[:, None]

    k3 = pl.pallas_call(
        k3_body,
        grid=(_NBLK,),
        in_specs=[
            pl.BlockSpec((2, _RB, 128), lambda r: (0, r, 0)),
            pl.BlockSpec((_NBLK, 2, 128), lambda r: (0, 0, 0)),
            pl.BlockSpec((_NBLK, 2, 128), lambda r: (0, 0, 0)),
            pl.BlockSpec((2, 128), lambda r: (0, 0)),
            pl.BlockSpec((2, 128), lambda r: (0, 0)),
            pl.BlockSpec((2, 128, 40), lambda r: (0, 0, 0)),
            pl.BlockSpec((2, _RB, 128), lambda r: (0, r, 0)),
        ],
        out_specs=pl.BlockSpec((_RB, 40), lambda r: (r, 0)),
        out_shape=jax.ShapeDtypeStruct((_N, 40), f32),
    )

    def k4_body(a2_ref, g_ref, deg_ref, b2_ref, out_ref):
        dsum = deg_ref[0, :, 0] + deg_ref[1, :, 0] + 1.0
        dinv = lax.rsqrt(dsum)[:, None]
        acc = a2_ref[0] + a2_ref[1] + g_ref[...]
        out_ref[...] = acc * dinv + b2_ref[0]

    k4 = pl.pallas_call(
        k4_body,
        grid=(_NBLK,),
        in_specs=[
            pl.BlockSpec((2, _RB, 40), lambda r: (0, r, 0)),
            pl.BlockSpec((_RB, 40), lambda r: (r, 0)),
            pl.BlockSpec((2, _RB, 128), lambda r: (0, r, 0)),
            pl.BlockSpec((1, 40), lambda r: (0, 0)),
        ],
        out_specs=pl.BlockSpec((_RB, 40), lambda r: (r, 0)),
        out_shape=jax.ShapeDtypeStruct((_N, 40), f32),
    )

    return sc_deg, sc_agg1, sc_agg2, k1, k2, k3, k4


def kernel(x, edge_index, W1, b1, gamma1, beta1, W2, b2):
    sc_deg, sc_agg1, sc_agg2, k1, k2, k3, k4 = _build()
    f32 = jnp.float32
    src = edge_index[0]
    dst = edge_index[1]
    pad = _EP - _E
    srcp = jnp.concatenate([src, jnp.zeros((pad,), jnp.int32)])
    dstp = jnp.concatenate([dst, jnp.full((pad,), _N, jnp.int32)])
    dstR32 = dstp.reshape(32, 40, _B)
    srcR32 = srcp.reshape(32, 40, _B)
    src2R = jnp.stack([srcp, srcp + _N]).reshape(2, 16, 80, _B)
    dstR16 = dstp.reshape(16, 80, _B)
    ones128 = jnp.ones((_B, 128), f32)
    zero40 = jnp.zeros((_NP, 40), f32)
    zero128 = jnp.zeros((_NP, 128), f32)

    deg = sc_deg(dstR32, ones128, zero128)
    h2 = k1(x, W1, deg)
    a1 = sc_agg1(h2.reshape(2 * _N, 128), src2R, dstR16, zero128)
    z, sums, sumsq = k2(a1, h2, deg, b1.reshape(2, 128))
    gp = k3(z, sums, sumsq, gamma1.reshape(2, 128), beta1.reshape(2, 128),
            W2.reshape(2, 128, 40), deg)
    gpp = jnp.concatenate([gp, jnp.zeros((_NP - _N, 40), f32)])
    a2 = sc_agg2(gpp, srcR32, dstR32, zero40)
    out = k4(a2, gp, deg, b2.reshape(1, 40))
    return out

# --- scband reference (transcript-rebuilt; emitter-appended) ---
"""Pipeline reference for scband-gcnclassifier-5368709120676 (READ-ONLY COPY).

The authoritative reference and input builder live on the scoring server;
editing this copy changes nothing except your own understanding.
"""

import jax, jax.numpy as jnp
import numpy as np

N = 10000
E = 160000
D_IN = 256
D_HID = 256
D_OUT = 40


def setup_inputs(seed: int = 0) -> dict:
    key = jax.random.key(seed)
    ks = jax.random.split(key, 8)
    x = jax.random.normal(ks[0], (N, D_IN), dtype=jnp.float32)
    edge_index = jax.random.randint(ks[1], (2, E), 0, N, dtype=jnp.int32)
    W1 = jax.random.normal(ks[2], (D_IN, D_HID), dtype=jnp.float32) * (1.0 / np.sqrt(D_IN))
    b1 = jnp.zeros((D_HID,), dtype=jnp.float32)
    gamma1 = jnp.ones((D_HID,), dtype=jnp.float32)
    beta1 = jnp.zeros((D_HID,), dtype=jnp.float32)
    W2 = jax.random.normal(ks[3], (D_HID, D_OUT), dtype=jnp.float32) * (1.0 / np.sqrt(D_HID))
    b2 = jnp.zeros((D_OUT,), dtype=jnp.float32)
    return {"x": x, "edge_index": edge_index, "W1": W1, "b1": b1,
            "gamma1": gamma1, "beta1": beta1, "W2": W2, "b2": b2}


def _gcn_conv(x, src, dst, W, b):
    # symmetric-normalized GCN conv (PyG GCNConv with self-loops already appended)
    n = x.shape[0]
    deg = jnp.zeros((n,), dtype=x.dtype).at[dst].add(1.0)
    dinv = jnp.where(deg > 0, 1.0 / jnp.sqrt(deg), 0.0)
    norm = dinv[src] * dinv[dst]
    h = x @ W
    msg = jnp.take(h, src, axis=0) * norm[:, None]
    out = jnp.zeros_like(h).at[dst].add(msg)
    return out + b


def reference(x, edge_index, W1, b1, gamma1, beta1, W2, b2):
    n = x.shape[0]
    loop = jnp.arange(n, dtype=edge_index.dtype)
    src = jnp.concatenate([edge_index[0], loop])
    dst = jnp.concatenate([edge_index[1], loop])
    # layer 1
    h = _gcn_conv(x, src, dst, W1, b1)
    # BatchNorm1d (training-mode batch statistics, eps=1e-5)
    mean = jnp.mean(h, axis=0)
    var = jnp.var(h, axis=0)
    h = (h - mean) / jnp.sqrt(var + 1e-5) * gamma1 + beta1
    h = jax.nn.relu(h)
    # layer 2 (no norm / activation on last layer)
    out = _gcn_conv(h, src, dst, W2, b2)
    return out

if __name__ == "__main__":
    import jax
    _d = setup_inputs()
    print(jax.jit(kernel)(*tuple(_d.values())))

</pallas_src>

<mosaic_0001>
#map = affine_map<(d0, d1) -> (0, 0, 0)>
#map1 = affine_map<(d0, d1) -> (0, 0)>
module attributes {stable_mosaic.version = 14 : i64} {
  func.func @sc_deg(%arg0: i32, %arg1: i32, %arg2: memref<32x40x128xi32, #tpu.memory_space<hbm>>, %arg3: memref<128x128xf32, #tpu.memory_space<hbm>>, %arg4: memref<10240x128xf32, #tpu.memory_space<hbm>>, %arg5: memref<2x10240x128xf32, #tpu.memory_space<hbm>>, %arg6: memref<40x128xi32, #tpu.memory_space<vmem>>, %arg7: memref<128x128xf32, #tpu.memory_space<vmem>>, %arg8: memref<10240x128xf32, #tpu.memory_space<vmem_shared>>) attributes {dimension_semantics = [#tpu.dimension_semantics<core_parallel>, #tpu.dimension_semantics<subcore_parallel>], iteration_bounds = array<i64: 2, 16>, scalar_prefetch = 0 : i64, scratch_operands = 3 : i64, tpu.core_type = #tpu.core_type<sc_vector_subcore>, window_params = [{transform_indices = #map}, {transform_indices = #map1}, {transform_indices = #map1}, {transform_indices = #map}]} {
    %mul3A = arith.constant 16 : i32
    %mul3A_0 = arith.muli %arg0, %mul3A : i32
    %add3A = arith.addi %mul3A_0, %arg1 : i32
    %mul3A_1 = arith.constant 640 : i32
    %mul3A_2 = arith.muli %arg1, %mul3A_1 : i32
    %mul3A_3 = arith.constant 640 : i32
    %mul3A_4 = arith.muli %arg1, %mul3A_3 : i32
    "tpu.region"() ({
      %run_scoped3A = tpu.sem_alloc : memref<!tpu.dma_semaphore, #tpu.memory_space<semaphore_mem>>
      %dma_start3A = arith.constant 0 : i32
      %dma_start3A_16 = tpu.memref_slice %arg8[%mul3A_4, %dma_start3A] : memref<10240x128xf32, #tpu.memory_space<vmem_shared>> -> memref<640x128xf32, #tpu.memory_space<vmem_shared>>
      %dma_start3A_17 = arith.constant 0 : i32
      %dma_start3A_18 = tpu.memref_slice %arg4[%mul3A_2, %dma_start3A_17] : memref<10240x128xf32, #tpu.memory_space<hbm>> -> memref<640x128xf32, #tpu.memory_space<hbm>>
      tpu.enqueue_dma source(%dma_start3A_18 : memref<640x128xf32, #tpu.memory_space<hbm>>) target(%dma_start3A_16 : memref<640x128xf32, #tpu.memory_space<vmem_shared>>) target_semaphore(%run_scoped3A : memref<!tpu.dma_semaphore, #tpu.memory_space<semaphore_mem>>)
      %dma_wait3A = arith.constant 0 : i32
      %dma_wait3A_19 = tpu.memref_slice %arg8[%mul3A_4, %dma_wait3A] : memref<10240x128xf32, #tpu.memory_space<vmem_shared>> -> memref<640x128xf32, #tpu.memory_space<vmem_shared>>
      %dma_wait3A_20 = arith.constant 0 : i32
      %dma_wait3A_21 = tpu.memref_slice %arg4[%mul3A_2, %dma_wait3A_20] : memref<10240x128xf32, #tpu.memory_space<hbm>> -> memref<640x128xf32, #tpu.memory_space<hbm>>
      tpu.wait_dma2 semaphore(%run_scoped3A : memref<!tpu.dma_semaphore, #tpu.memory_space<semaphore_mem>>) src(%dma_wait3A_21 : memref<640x128xf32, #tpu.memory_space<hbm>>) dst(%dma_wait3A_19 : memref<640x128xf32, #tpu.memory_space<vmem_shared>>)
      tpu.yield
    }) : () -> ()
    "tpu.region"() ({
      %run_scoped3A = tpu.sem_alloc : memref<!tpu.dma_semaphore, #tpu.memory_space<semaphore_mem>>
      tpu.enqueue_dma source(%arg3 : memref<128x128xf32, #tpu.memory_space<hbm>>) target(%arg7 : memref<128x128xf32, #tpu.memory_space<vmem>>) target_semaphore(%run_scoped3A : memref<!tpu.dma_semaphore, #tpu.memory_space<semaphore_mem>>)
      tpu.wait_dma2 semaphore(%run_scoped3A : memref<!tpu.dma_semaphore, #tpu.memory_space<semaphore_mem>>) src(%arg3 : memref<128x128xf32, #tpu.memory_space<hbm>>) dst(%arg7 : memref<128x128xf32, #tpu.memory_space<vmem>>)
      tpu.yield
    }) : () -> ()
    "tpu.region"() ({
      %run_scoped3A = tpu.sem_alloc : memref<!tpu.dma_semaphore, #tpu.memory_space<semaphore_mem>>
      %dma_start3A = arith.constant 0 : i32
      %dma_start3A_16 = arith.constant 0 : i32
      %dma_start3A_17 = tpu.memref_slice %arg2[%add3A, %dma_start3A, %dma_start3A_16] : memref<32x40x128xi32, #tpu.memory_space<hbm>> -> memref<1x40x128xi32, #tpu.memory_space<hbm>>
      %dma_start3A_18 = tpu.memref_squeeze %dma_start3A_17 : memref<1x40x128xi32, #tpu.memory_space<hbm>> -> memref<40x128xi32, #tpu.memory_space<hbm>>
      %dma_start3A_19 = arith.constant 0 : i32
      %dma_start3A_20 = arith.constant 0 : i32
      %dma_start3A_21 = tpu.memref_slice %arg2[%add3A, %dma_start3A_19, %dma_start3A_20] : memref<32x40x128xi32, #tpu.memory_space<hbm>> -> memref<1x40x128xi32, #tpu.memory_space<hbm>>
      %dma_start3A_22 = tpu.memref_squeeze %dma_start3A_21 : memref<1x40x128xi32, #tpu.memory_space<hbm>> -> memref<40x128xi32, #tpu.memory_space<hbm>>
      tpu.enqueue_dma source(%dma_start3A_22 : memref<40x128xi32, #tpu.memory_space<hbm>>) target(%arg6 : memref<40x128xi32, #tpu.memory_space<vmem>>) target_semaphore(%run_scoped3A : memref<!tpu.dma_semaphore, #tpu.memory_space<semaphore_mem>>)
      %dma_wait3A = arith.constant 0 : i32
      %dma_wait3A_23 = arith.constant 0 : i32
      %dma_wait3A_24 = tpu.memref_slice %arg2[%add3A, %dma_wait3A, %dma_wait3A_23] : memref<32x40x128xi32, #tpu.memory_space<hbm>> -> memref<1x40x128xi32, #tpu.memory_space<hbm>>
      %dma_wait3A_25 = tpu.memref_squeeze %dma_wait3A_24 : memref<1x40x128xi32, #tpu.memory_space<hbm>> -> memref<40x128xi32, #tpu.memory_space<hbm>>
      %dma_wait3A_26 = arith.constant 0 : i32
      %dma_wait3A_27 = arith.constant 0 : i32
      %dma_wait3A_28 = tpu.memref_slice %arg2[%add3A, %dma_wait3A_26, %dma_wait3A_27] : memref<32x40x128xi32, #tpu.memory_space<hbm>> -> memref<1x40x128xi32, #tpu.memory_space<hbm>>
      %dma_wait3A_29 = tpu.memref_squeeze %dma_wait3A_28 : memref<1x40x128xi32, #tpu.memory_space<hbm>> -> memref<40x128xi32, #tpu.memory_space<hbm>>
      tpu.wait_dma2 semaphore(%run_scoped3A : memref<!tpu.dma_semaphore, #tpu.memory_space<semaphore_mem>>) src(%dma_wait3A_29 : memref<40x128xi32, #tpu.memory_space<hbm>>) dst(%arg6 : memref<40x128xi32, #tpu.memory_space<vmem>>)
      tpu.yield
    }) : () -> ()
    %barrier3A = arith.constant 0 : index
    tpu.barrier barrier_id(%barrier3A)
    %scan3A = arith.constant 0 : i32
    %scan3A_5 = arith.constant 0 : i32
    %scan3A_6 = arith.constant 40 : i32
    %scan3A_7 = arith.addi %scan3A_5, %scan3A_6 : i32
    %scan3A_8 = arith.constant 1 : i32
    %scan3A_9 = scf.for %scan3A_16 = %scan3A_5 to %scan3A_7 step %scan3A_8 iter_args(%scan3A_17 = %scan3A) -> (i32)  : i32 {
      "tpu.region"() ({
        %run_scoped3A = tpu.sem_alloc : memref<!tpu.dma_semaphore, #tpu.memory_space<semaphore_mem>>
        %dma_start3A = arith.constant 0 : i32
        %dma_start3A_19 = tpu.memref_slice %arg6[%scan3A_16, %dma_start3A] : memref<40x128xi32, #tpu.memory_space<vmem>> -> memref<1x128xi32, #tpu.memory_space<vmem>>
        %dma_start3A_20 = tpu.memref_squeeze %dma_start3A_19 : memref<1x128xi32, #tpu.memory_space<vmem>> -> memref<128xi32, #tpu.memory_space<vmem>>
        %dma_start3A_21 = arith.constant 0 : i32
        %dma_start3A_22 = arith.constant 0 : i32
        %dma_start3A_23 = tpu.memref_slice %arg8[%dma_start3A_21, %dma_start3A_22] : memref<10240x128xf32, #tpu.memory_space<vmem_shared>> -> memref<10240x128xf32, #tpu.memory_space<vmem_shared>>
        tpu.enqueue_indirect_dma source(%arg7 : memref<128x128xf32, #tpu.memory_space<vmem>>) target(%dma_start3A_23 : memref<10240x128xf32, #tpu.memory_space<vmem_shared>>) offsets(%dma_start3A_20 : memref<128xi32, #tpu.memory_space<vmem>>) semaphore(%run_scoped3A : memref<!tpu.dma_semaphore, #tpu.memory_space<semaphore_mem>>) {add = true}
        %dma_wait3A = arith.constant 0 : i32
        %dma_wait3A_24 = tpu.memref_slice %arg6[%scan3A_16, %dma_wait3A] : memref<40x128xi32, #tpu.memory_space<vmem>> -> memref<1x128xi32, #tpu.memory_space<vmem>>
        %dma_wait3A_25 = tpu.memref_squeeze %dma_wait3A_24 : memref<1x128xi32, #tpu.memory_space<vmem>> -> memref<128xi32, #tpu.memory_space<vmem>>
        %dma_wait3A_26 = arith.constant 0 : i32
        %dma_wait3A_27 = arith.constant 0 : i32
        %dma_wait3A_28 = tpu.memref_slice %arg8[%dma_wait3A_26, %dma_wait3A_27] : memref<10240x128xf32, #tpu.memory_space<vmem_shared>> -> memref<10240x128xf32, #tpu.memory_space<vmem_shared>>
        tpu.wait_indirect_dma semaphore(%run_scoped3A : memref<!tpu.dma_semaphore, #tpu.memory_space<semaphore_mem>>) src(%arg7 : memref<128x128xf32, #tpu.memory_space<vmem>>) dst(%dma_wait3A_28 : memref<10240x128xf32, #tpu.memory_space<vmem_shared>>)
        tpu.yield
      }) : () -> ()
      %scan3A_18 = arith.constant 0 : i32
      scf.yield %scan3A_18 : i32
    }
    %scan3A_10 = arith.constant 40 : i32
    %barrier3A_11 = arith.constant 0 : index
    tpu.barrier barrier_id(%barrier3A_11)
    %mul3A_12 = arith.constant 640 : i32
    %mul3A_13 = arith.muli %arg1, %mul3A_12 : i32
    %mul3A_14 = arith.constant 640 : i32
    %mul3A_15 = arith.muli %arg1, %mul3A_14 : i32
    "tpu.region"() ({
      %run_scoped3A = tpu.sem_alloc : memref<!tpu.dma_semaphore, #tpu.memory_space<semaphore_mem>>
      %dma_start3A = arith.constant 0 : i32
      %dma_start3A_16 = tpu.memref_slice %arg5[%arg0, %mul3A_15, %dma_start3A] : memref<2x10240x128xf32, #tpu.memory_space<hbm>> -> memref<1x640x128xf32, #tpu.memory_space<hbm>>
      %dma_start3A_17 = tpu.memref_squeeze %dma_start3A_16 : memref<1x640x128xf32, #tpu.memory_space<hbm>> -> memref<640x128xf32, #tpu.memory_space<hbm>>
      %dma_start3A_18 = arith.constant 0 : i32
      %dma_start3A_19 = tpu.memref_slice %arg8[%mul3A_13, %dma_start3A_18] : memref<10240x128xf32, #tpu.memory_space<vmem_shared>> -> memref<640x128xf32, #tpu.memory_space<vmem_shared>>
      tpu.enqueue_dma source(%dma_start3A_19 : memref<640x128xf32, #tpu.memory_space<vmem_shared>>) target(%dma_start3A_17 : memref<640x128xf32, #tpu.memory_space<hbm>>) target_semaphore(%run_scoped3A : memref<!tpu.dma_semaphore, #tpu.memory_space<semaphore_mem>>)
      %dma_wait3A = arith.constant 0 : i32
      %dma_wait3A_20 = tpu.memref_slice %arg5[%arg0, %mul3A_15, %dma_wait3A] : memref<2x10240x128xf32, #tpu.memory_space<hbm>> -> memref<1x640x128xf32, #tpu.memory_space<hbm>>
      %dma_wait3A_21 = tpu.memref_squeeze %dma_wait3A_20 : memref<1x640x128xf32, #tpu.memory_space<hbm>> -> memref<640x128xf32, #tpu.memory_space<hbm>>
      %dma_wait3A_22 = arith.constant 0 : i32
      %dma_wait3A_23 = tpu.memref_slice %arg8[%mul3A_13, %dma_wait3A_22] : memref<10240x128xf32, #tpu.memory_space<vmem_shared>> -> memref<640x128xf32, #tpu.memory_space<vmem_shared>>
      tpu.wait_dma2 semaphore(%run_scoped3A : memref<!tpu.dma_semaphore, #tpu.memory_space<semaphore_mem>>) src(%dma_wait3A_23 : memref<640x128xf32, #tpu.memory_space<vmem_shared>>) dst(%dma_wait3A_21 : memref<640x128xf32, #tpu.memory_space<hbm>>)
      tpu.yield
    }) : () -> ()
    return
  }
}

#map = affine_map<(d0, d1) -> (0, 0)>
#map1 = affine_map<(d0, d1) -> (0, 0, 0)>
module attributes {stable_mosaic.version = 14 : i64} {
  func.func @sc_agg2(%arg0: i32, %arg1: i32, %arg2: memref<10240x40xf32, #tpu.memory_space<hbm>>, %arg3: memref<32x40x128xi32, #tpu.memory_space<hbm>>, %arg4: memref<32x40x128xi32, #tpu.memory_space<hbm>>, %arg5: memref<10240x40xf32, #tpu.memory_space<hbm>>, %arg6: memref<2x10240x40xf32, #tpu.memory_space<hbm>>, %arg7: memref<40x128xi32, #tpu.memory_space<vmem>>, %arg8: memref<40x128xi32, #tpu.memory_space<vmem>>, %arg9: memref<10240x40xf32, #tpu.memory_space<vmem_shared>>, %arg10: memref<10240x40xf32, #tpu.memory_space<vmem_shared>>, %arg11: memref<!tpu.dma_semaphore, #tpu.memory_space<semaphore_mem>>, %arg12: memref<!tpu.dma_semaphore, #tpu.memory_space<semaphore_mem>>) attributes {dimension_semantics = [#tpu.dimension_semantics<core_parallel>, #tpu.dimension_semantics<subcore_parallel>], iteration_bounds = array<i64: 2, 16>, scalar_prefetch = 0 : i64, scratch_operands = 6 : i64, tpu.core_type = #tpu.core_type<sc_vector_subcore>, window_params = [{transform_indices = #map}, {transform_indices = #map1}, {transform_indices = #map1}, {transform_indices = #map}, {transform_indices = #map1}]} {
    %mul3A = arith.constant 16 : i32
    %mul3A_0 = arith.muli %arg0, %mul3A : i32
    %add3A = arith.addi %mul3A_0, %arg1 : i32
    %mul3A_1 = arith.constant 640 : i32
    %mul3A_2 = arith.muli %arg1, %mul3A_1 : i32
    %mul3A_3 = arith.constant 640 : i32
    %mul3A_4 = arith.muli %arg1, %mul3A_3 : i32
    "tpu.region"() ({
      %run_scoped3A = tpu.sem_alloc : memref<!tpu.dma_semaphore, #tpu.memory_space<semaphore_mem>>
      %dma_start3A = arith.constant 0 : i32
      %dma_start3A_14 = tpu.memref_slice %arg10[%mul3A_4, %dma_start3A] : memref<10240x40xf32, #tpu.memory_space<vmem_shared>> -> memref<640x40xf32, #tpu.memory_space<vmem_shared>>
      %dma_start3A_15 = arith.constant 0 : i32
      %dma_start3A_16 = tpu.memref_slice %arg5[%mul3A_2, %dma_start3A_15] : memref<10240x40xf32, #tpu.memory_space<hbm>> -> memref<640x40xf32, #tpu.memory_space<hbm>>
      tpu.enqueue_dma source(%dma_start3A_16 : memref<640x40xf32, #tpu.memory_space<hbm>>) target(%dma_start3A_14 : memref<640x40xf32, #tpu.memory_space<vmem_shared>>) target_semaphore(%run_scoped3A : memref<!tpu.dma_semaphore, #tpu.memory_space<semaphore_mem>>)
      %dma_wait3A = arith.constant 0 : i32
      %dma_wait3A_17 = tpu.memref_slice %arg10[%mul3A_4, %dma_wait3A] : memref<10240x40xf32, #tpu.memory_space<vmem_shared>> -> memref<640x40xf32, #tpu.memory_space<vmem_shared>>
      %dma_wait3A_18 = arith.constant 0 : i32
      %dma_wait3A_19 = tpu.memref_slice %arg5[%mul3A_2, %dma_wait3A_18] : memref<10240x40xf32, #tpu.memory_space<hbm>> -> memref<640x40xf32, #tpu.memory_space<hbm>>
      tpu.wait_dma2 semaphore(%run_scoped3A : memref<!tpu.dma_semaphore, #tpu.memory_space<semaphore_mem>>) src(%dma_wait3A_19 : memref<640x40xf32, #tpu.memory_space<hbm>>) dst(%dma_wait3A_17 : memref<640x40xf32, #tpu.memory_space<vmem_shared>>)
      tpu.yield
    }) : () -> ()
    %mul3A_5 = arith.constant 640 : i32
    %mul3A_6 = arith.muli %arg1, %mul3A_5 : i32
    %mul3A_7 = arith.constant 640 : i32
    %mul3A_8 = arith.muli %arg1, %mul3A_7 : i32
    "tpu.region"() ({
      %run_scoped3A = tpu.sem_alloc : memref<!tpu.dma_semaphore, #tpu.memory_space<semaphore_mem>>
      %dma_start3A = arith.constant 0 : i32
      %dma_start3A_14 = tpu.memref_slice %arg9[%mul3A_8, %dma_start3A] : memref<10240x40xf32, #tpu.memory_space<vmem_shared>> -> memref<640x40xf32, #tpu.memory_space<vmem_shared>>
      %dma_start3A_15 = arith.constant 0 : i32
      %dma_start3A_16 = tpu.memref_slice %arg2[%mul3A_6, %dma_start3A_15] : memref<10240x40xf32, #tpu.memory_space<hbm>> -> memref<640x40xf32, #tpu.memory_space<hbm>>
      tpu.enqueue_dma source(%dma_start3A_16 : memref<640x40xf32, #tpu.memory_space<hbm>>) target(%dma_start3A_14 : memref<640x40xf32, #tpu.memory_space<vmem_shared>>) target_semaphore(%run_scoped3A : memref<!tpu.dma_semaphore, #tpu.memory_space<semaphore_mem>>)
      %dma_wait3A = arith.constant 0 : i32
      %dma_wait3A_17 = tpu.memref_slice %arg9[%mul3A_8, %dma_wait3A] : memref<10240x40xf32, #tpu.memory_space<vmem_shared>> -> memref<640x40xf32, #tpu.memory_space<vmem_shared>>
      %dma_wait3A_18 = arith.constant 0 : i32
      %dma_wait3A_19 = tpu.memref_slice %arg2[%mul3A_6, %dma_wait3A_18] : memref<10240x40xf32, #tpu.memory_space<hbm>> -> memref<640x40xf32, #tpu.memory_space<hbm>>
      tpu.wait_dma2 semaphore(%run_scoped3A : memref<!tpu.dma_semaphore, #tpu.memory_space<semaphore_mem>>) src(%dma_wait3A_19 : memref<640x40xf32, #tpu.memory_space<hbm>>) dst(%dma_wait3A_17 : memref<640x40xf32, #tpu.memory_space<vmem_shared>>)
      tpu.yield
    }) : () -> ()
    "tpu.region"() ({
      %run_scoped3A = tpu.sem_alloc : memref<!tpu.dma_semaphore, #tpu.memory_space<semaphore_mem>>
      %dma_start3A = arith.constant 0 : i32
      %dma_start3A_14 = arith.constant 0 : i32
      %dma_start3A_15 = tpu.memref_slice %arg3[%add3A, %dma_start3A, %dma_start3A_14] : memref<32x40x128xi32, #tpu.memory_space<hbm>> -> memref<1x40x128xi32, #tpu.memory_space<hbm>>
      %dma_start3A_16 = tpu.memref_squeeze %dma_start3A_15 : memref<1x40x128xi32, #tpu.memory_space<hbm>> -> memref<40x128xi32, #tpu.memory_space<hbm>>
      %dma_start3A_17 = arith.constant 0 : i32
      %dma_start3A_18 = arith.constant 0 : i32
      %dma_start3A_19 = tpu.memref_slice %arg3[%add3A, %dma_start3A_17, %dma_start3A_18] : memref<32x40x128xi32, #tpu.memory_space<hbm>> -> memref<1x40x128xi32, #tpu.memory_space<hbm>>
      %dma_start3A_20 = tpu.memref_squeeze %dma_start3A_19 : memref<1x40x128xi32, #tpu.memory_space<hbm>> -> memref<40x128xi32, #tpu.memory_space<hbm>>
      tpu.enqueue_dma source(%dma_start3A_20 : memref<40x128xi32, #tpu.memory_space<hbm>>) target(%arg7 : memref<40x128xi32, #tpu.memory_space<vmem>>) target_semaphore(%run_scoped3A : memref<!tpu.dma_semaphore, #tpu.memory_space<semaphore_mem>>)
      %dma_wait3A = arith.constant 0 : i32
      %dma_wait3A_21 = arith.constant 0 : i32
      %dma_wait3A_22 = tpu.memref_slice %arg3[%add3A, %dma_wait3A, %dma_wait3A_21] : memref<32x40x128xi32, #tpu.memory_space<hbm>> -> memref<1x40x128xi32, #tpu.memory_space<hbm>>
      %dma_wait3A_23 = tpu.memref_squeeze %dma_wait3A_22 : memref<1x40x128xi32, #tpu.memory_space<hbm>> -> memref<40x128xi32, #tpu.memory_space<hbm>>
      %dma_wait3A_24 = arith.constant 0 : i32
      %dma_wait3A_25 = arith.constant 0 : i32
      %dma_wait3A_26 = tpu.memref_slice %arg3[%add3A, %dma_wait3A_24, %dma_wait3A_25] : memref<32x40x128xi32, #tpu.memory_space<hbm>> -> memref<1x40x128xi32, #tpu.memory_space<hbm>>
      %dma_wait3A_27 = tpu.memref_squeeze %dma_wait3A_26 : memref<1x40x128xi32, #tpu.memory_space<hbm>> -> memref<40x128xi32, #tpu.memory_space<hbm>>
      tpu.wait_dma2 semaphore(%run_scoped3A : memref<!tpu.dma_semaphore, #tpu.memory_space<semaphore_mem>>) src(%dma_wait3A_27 : memref<40x128xi32, #tpu.memory_space<hbm>>) dst(%arg7 : memref<40x128xi32, #tpu.memory_space<vmem>>)
      tpu.yield
    }) : () -> ()
    "tpu.region"() ({
      %run_scoped3A = tpu.sem_alloc : memref<!tpu.dma_semaphore, #tpu.memory_space<semaphore_mem>>
      %dma_start3A = arith.constant 0 : i32
      %dma_start3A_14 = arith.constant 0 : i32
      %dma_start3A_15 = tpu.memref_slice %arg4[%add3A, %dma_start3A, %dma_start3A_14] : memref<32x40x128xi32, #tpu.memory_space<hbm>> -> memref<1x40x128xi32, #tpu.memory_space<hbm>>
      %dma_start3A_16 = tpu.memref_squeeze %dma_start3A_15 : memref<1x40x128xi32, #tpu.memory_space<hbm>> -> memref<40x128xi32, #tpu.memory_space<hbm>>
      %dma_start3A_17 = arith.constant 0 : i32
      %dma_start3A_18 = arith.constant 0 : i32
      %dma_start3A_19 = tpu.memref_slice %arg4[%add3A, %dma_start3A_17, %dma_start3A_18] : memref<32x40x128xi32, #tpu.memory_space<hbm>> -> memref<1x40x128xi32, #tpu.memory_space<hbm>>
      %dma_start3A_20 = tpu.memref_squeeze %dma_start3A_19 : memref<1x40x128xi32, #tpu.memory_space<hbm>> -> memref<40x128xi32, #tpu.memory_space<hbm>>
      tpu.enqueue_dma source(%dma_start3A_20 : memref<40x128xi32, #tpu.memory_space<hbm>>) target(%arg8 : memref<40x128xi32, #tpu.memory_space<vmem>>) target_semaphore(%run_scoped3A : memref<!tpu.dma_semaphore, #tpu.memory_space<semaphore_mem>>)
      %dma_wait3A = arith.constant 0 : i32
      %dma_wait3A_21 = arith.constant 0 : i32
      %dma_wait3A_22 = tpu.memref_slice %arg4[%add3A, %dma_wait3A, %dma_wait3A_21] : memref<32x40x128xi32, #tpu.memory_space<hbm>> -> memref<1x40x128xi32, #tpu.memory_space<hbm>>
      %dma_wait3A_23 = tpu.memref_squeeze %dma_wait3A_22 : memref<1x40x128xi32, #tpu.memory_space<hbm>> -> memref<40x128xi32, #tpu.memory_space<hbm>>
      %dma_wait3A_24 = arith.constant 0 : i32
      %dma_wait3A_25 = arith.constant 0 : i32
      %dma_wait3A_26 = tpu.memref_slice %arg4[%add3A, %dma_wait3A_24, %dma_wait3A_25] : memref<32x40x128xi32, #tpu.memory_space<hbm>> -> memref<1x40x128xi32, #tpu.memory_space<hbm>>
      %dma_wait3A_27 = tpu.memref_squeeze %dma_wait3A_26 : memref<1x40x128xi32, #tpu.memory_space<hbm>> -> memref<40x128xi32, #tpu.memory_space<hbm>>
      tpu.wait_dma2 semaphore(%run_scoped3A : memref<!tpu.dma_semaphore, #tpu.memory_space<semaphore_mem>>) src(%dma_wait3A_27 : memref<40x128xi32, #tpu.memory_space<hbm>>) dst(%arg8 : memref<40x128xi32, #tpu.memory_space<vmem>>)
      tpu.yield
    }) : () -> ()
    %barrier3A = arith.constant 0 : index
    tpu.barrier barrier_id(%barrier3A)
    "tpu.region"() ({
      %run_scoped3A = memref.alloca() : memref<2x128x40xf32, #tpu.memory_space<vmem>>
      %dma_start3A = arith.constant 0 : i32
      %dma_start3A_14 = arith.constant 0 : i32
      %dma_start3A_15 = arith.constant 0 : i32
      %dma_start3A_16 = arith.constant 0 : i32
      %dma_start3A_17 = tpu.memref_slice %run_scoped3A[%dma_start3A_14, %dma_start3A_15, %dma_start3A_16] : memref<2x128x40xf32, #tpu.memory_space<vmem>> -> memref<1x128x40xf32, #tpu.memory_space<vmem>>
      %dma_start3A_18 = tpu.memref_squeeze %dma_start3A_17 : memref<1x128x40xf32, #tpu.memory_space<vmem>> -> memref<128x40xf32, #tpu.memory_space<vmem>>
      %dma_start3A_19 = arith.constant 0 : i32
      %dma_start3A_20 = tpu.memref_slice %arg7[%dma_start3A, %dma_start3A_19] : memref<40x128xi32, #tpu.memory_space<vmem>> -> memref<1x128xi32, #tpu.memory_space<vmem>>
      %dma_start3A_21 = tpu.memref_squeeze %dma_start3A_20 : memref<1x128xi32, #tpu.memory_space<vmem>> -> memref<128xi32, #tpu.memory_space<vmem>>
      %dma_start3A_22 = arith.constant 0 : i32
      %dma_start3A_23 = arith.constant 0 : i32
      %dma_start3A_24 = tpu.memref_slice %arg9[%dma_start3A_22, %dma_start3A_23] : memref<10240x40xf32, #tpu.memory_space<vmem_shared>> -> memref<10240x40xf32, #tpu.memory_space<vmem_shared>>
      tpu.enqueue_indirect_dma source(%dma_start3A_24 : memref<10240x40xf32, #tpu.memory_space<vmem_shared>>) target(%dma_start3A_18 : memref<128x40xf32, #tpu.memory_space<vmem>>) offsets(%dma_start3A_21 : memref<128xi32, #tpu.memory_space<vmem>>) semaphore(%arg11 : memref<!tpu.dma_semaphore, #tpu.memory_space<semaphore_mem>>)
      %dma_start3A_25 = arith.constant 1 : i32
      %dma_start3A_26 = arith.constant 1 : i32
      %dma_start3A_27 = arith.constant 0 : i32
      %dma_start3A_28 = arith.constant 0 : i32
      %dma_start3A_29 = tpu.memref_slice %run_scoped3A[%dma_start3A_26, %dma_start3A_27, %dma_start3A_28] : memref<2x128x40xf32, #tpu.memory_space<vmem>> -> memref<1x128x40xf32, #tpu.memory_space<vmem>>
      %dma_start3A_30 = tpu.memref_squeeze %dma_start3A_29 : memref<1x128x40xf32, #tpu.memory_space<vmem>> -> memref<128x40xf32, #tpu.memory_space<vmem>>
      %dma_start3A_31 = arith.constant 0 : i32
      %dma_start3A_32 = tpu.memref_slice %arg7[%dma_start3A_25, %dma_start3A_31] : memref<40x128xi32, #tpu.memory_space<vmem>> -> memref<1x128xi32, #tpu.memory_space<vmem>>
      %dma_start3A_33 = tpu.memref_squeeze %dma_start3A_32 : memref<1x128xi32, #tpu.memory_space<vmem>> -> memref<128xi32, #tpu.memory_space<vmem>>
      %dma_start3A_34 = arith.constant 0 : i32
      %dma_start3A_35 = arith.constant 0 : i32
      %dma_start3A_36 = tpu.memref_slice %arg9[%dma_start3A_34, %dma_start3A_35] : memref<10240x40xf32, #tpu.memory_space<vmem_shared>> -> memref<10240x40xf32, #tpu.memory_space<vmem_shared>>
      tpu.enqueue_indirect_dma source(%dma_start3A_36 : memref<10240x40xf32, #tpu.memory_space<vmem_shared>>) target(%dma_start3A_30 : memref<128x40xf32, #tpu.memory_space<vmem>>) offsets(%dma_start3A_33 : memref<128xi32, #tpu.memory_space<vmem>>) semaphore(%arg12 : memref<!tpu.dma_semaphore, #tpu.memory_space<semaphore_mem>>)
      %scan3A = arith.constant 0 : i32
      %scan3A_37 = arith.constant 0 : i32
      %scan3A_38 = arith.constant 20 : i32
      %scan3A_39 = arith.addi %scan3A_37, %scan3A_38 : i32
      %scan3A_40 = arith.constant 1 : i32
      %scan3A_41 = scf.for %scan3A_66 = %scan3A_37 to %scan3A_39 step %scan3A_40 iter_args(%scan3A_67 = %scan3A) -> (i32)  : i32 {
        %mul3A_68 = arith.constant 2 : i32
        %mul3A_69 = arith.muli %mul3A_68, %scan3A_66 : i32
        %dma_wait3A_70 = arith.constant 0 : i32
        %dma_wait3A_71 = arith.constant 0 : i32
        %dma_wait3A_72 = arith.constant 0 : i32
        %dma_wait3A_73 = tpu.memref_slice %run_scoped3A[%dma_wait3A_70, %dma_wait3A_71, %dma_wait3A_72] : memref<2x128x40xf32, #tpu.memory_space<vmem>> -> memref<1x128x40xf32, #tpu.memory_space<vmem>>
        %dma_wait3A_74 = tpu.memref_squeeze %dma_wait3A_73 : memref<1x128x40xf32, #tpu.memory_space<vmem>> -> memref<128x40xf32, #tpu.memory_space<vmem>>
        %dma_wait3A_75 = arith.constant 0 : i32
        %dma_wait3A_76 = tpu.memref_slice %arg7[%mul3A_69, %dma_wait3A_75] : memref<40x128xi32, #tpu.memory_space<vmem>> -> memref<1x128xi32, #tpu.memory_space<vmem>>
        %dma_wait3A_77 = tpu.memref_squeeze %dma_wait3A_76 : memref<1x128xi32, #tpu.memory_space<vmem>> -> memref<128xi32, #tpu.memory_space<vmem>>
        %dma_wait3A_78 = arith.constant 0 : i32
        %dma_wait3A_79 = arith.constant 0 : i32
        %dma_wait3A_80 = tpu.memref_slice %arg9[%dma_wait3A_78, %dma_wait3A_79] : memref<10240x40xf32, #tpu.memory_space<vmem_shared>> -> memref<10240x40xf32, #tpu.memory_space<vmem_shared>>
        tpu.wait_indirect_dma semaphore(%arg11 : memref<!tpu.dma_semaphore, #tpu.memory_space<semaphore_mem>>) src(%dma_wait3A_80 : memref<10240x40xf32, #tpu.memory_space<vmem_shared>>) dst(%dma_wait3A_74 : memref<128x40xf32, #tpu.memory_space<vmem>>)
        %run_scoped3A_81 = arith.constant 0 : i32
        "tpu.region"() ({
          %run_scoped3A_128 = tpu.sem_alloc : memref<!tpu.dma_semaphore, #tpu.memory_space<semaphore_mem>>
          %dma_start3A_129 = arith.constant 0 : i32
          %dma_start3A_130 = arith.constant 0 : i32
          %dma_start3A_131 = tpu.memref_slice %run_scoped3A[%run_scoped3A_81, %dma_start3A_129, %dma_start3A_130] : memref<2x128x40xf32, #tpu.memory_space<vmem>> -> memref<1x128x40xf32, #tpu.memory_space<vmem>>
          %dma_start3A_132 = tpu.memref_squeeze %dma_start3A_131 : memref<1x128x40xf32, #tpu.memory_space<vmem>> -> memref<128x40xf32, #tpu.memory_space<vmem>>
          %dma_start3A_133 = arith.constant 0 : i32
          %dma_start3A_134 = tpu.memref_slice %arg8[%mul3A_69, %dma_start3A_133] : memref<40x128xi32, #tpu.memory_space<vmem>> -> memref<1x128xi32, #tpu.memory_space<vmem>>
          %dma_start3A_135 = tpu.memref_squeeze %dma_start3A_134 : memref<1x128xi32, #tpu.memory_space<vmem>> -> memref<128xi32, #tpu.memory_space<vmem>>
          %dma_start3A_136 = arith.constant 0 : i32
          %dma_start3A_137 = arith.constant 0 : i32
          %dma_start3A_138 = tpu.memref_slice %arg10[%dma_start3A_136, %dma_start3A_137] : memref<10240x40xf32, #tpu.memory_space<vmem_shared>> -> memref<10240x40xf32, #tpu.memory_space<vmem_shared>>
          tpu.enqueue_indirect_dma source(%dma_start3A_132 : memref<128x40xf32, #tpu.memory_space<vmem>>) target(%dma_start3A_138 : memref<10240x40xf32, #tpu.memory_space<vmem_shared>>) offsets(%dma_start3A_135 : memref<128xi32, #tpu.memory_space<vmem>>) semaphore(%run_scoped3A_128 : memref<!tpu.dma_semaphore, #tpu.memory_space<semaphore_mem>>) {add = true}
          %dma_wait3A_139 = arith.constant 0 : i32
          %dma_wait3A_140 = arith.constant 0 : i32
          %dma_wait3A_141 = tpu.memref_slice %run_scoped3A[%run_scoped3A_81, %dma_wait3A_139, %dma_wait3A_140] : memref<2x128x40xf32, #tpu.memory_space<vmem>> -> memref<1x128x40xf32, #tpu.memory_space<vmem>>
          %dma_wait3A_142 = tpu.memref_squeeze %dma_wait3A_141 : memref<1x128x40xf32, #tpu.memory_space<vmem>> -> memref<128x40xf32, #tpu.memory_space<vmem>>
          %dma_wait3A_143 = arith.constant 0 : i32
          %dma_wait3A_144 = tpu.memref_slice %arg8[%mul3A_69, %dma_wait3A_143] : memref<40x128xi32, #tpu.memory_space<vmem>> -> memref<1x128xi32, #tpu.memory_space<vmem>>
          %dma_wait3A_145 = tpu.memref_squeeze %dma_wait3A_144 : memref<1x128xi32, #tpu.memory_space<vmem>> -> memref<128xi32, #tpu.memory_space<vmem>>
          %dma_wait3A_146 = arith.constant 0 : i32
          %dma_wait3A_147 = arith.constant 0 : i32
          %dma_wait3A_148 = tpu.memref_slice %arg10[%dma_wait3A_146, %dma_wait3A_147] : memref<10240x40xf32, #tpu.memory_space<vmem_shared>> -> memref<10240x40xf32, #tpu.memory_space<vmem_shared>>
          tpu.wait_indirect_dma semaphore(%run_scoped3A_128 : memref<!tpu.dma_semaphore, #tpu.memory_space<semaphore_mem>>) src(%dma_wait3A_142 : memref<128x40xf32, #tpu.memory_space<vmem>>) dst(%dma_wait3A_148 : memref<10240x40xf32, #tpu.memory_space<vmem_shared>>)
          tpu.yield
        }) : () -> ()
        %add3A_82 = arith.constant 2 : i32
        %add3A_83 = arith.addi %mul3A_69, %add3A_82 : i32
        %min3A = arith.constant 38 : i32
        %min3A_84 = arith.minsi %add3A_83, %min3A : i32
        %dma_start3A_85 = arith.constant 0 : i32
        %dma_start3A_86 = arith.constant 0 : i32
        %dma_start3A_87 = arith.constant 0 : i32
        %dma_start3A_88 = tpu.memref_slice %run_scoped3A[%dma_start3A_85, %dma_start3A_86, %dma_start3A_87] : memref<2x128x40xf32, #tpu.memory_space<vmem>> -> memref<1x128x40xf32, #tpu.memory_space<vmem>>
        %dma_start3A_89 = tpu.memref_squeeze %dma_start3A_88 : memref<1x128x40xf32, #tpu.memory_space<vmem>> -> memref<128x40xf32, #tpu.memory_space<vmem>>
        %dma_start3A_90 = arith.constant 0 : i32
        %dma_start3A_91 = tpu.memref_slice %arg7[%min3A_84, %dma_start3A_90] : memref<40x128xi32, #tpu.memory_space<vmem>> -> memref<1x128xi32, #tpu.memory_space<vmem>>
        %dma_start3A_92 = tpu.memref_squeeze %dma_start3A_91 : memref<1x128xi32, #tpu.memory_space<vmem>> -> memref<128xi32, #tpu.memory_space<vmem>>
        %dma_start3A_93 = arith.constant 0 : i32
        %dma_start3A_94 = arith.constant 0 : i32
        %dma_start3A_95 = tpu.memref_slice %arg9[%dma_start3A_93, %dma_start3A_94] : memref<10240x40xf32, #tpu.memory_space<vmem_shared>> -> memref<10240x40xf32, #tpu.memory_space<vmem_shared>>
        tpu.enqueue_indirect_dma source(%dma_start3A_95 : memref<10240x40xf32, #tpu.memory_space<vmem_shared>>) target(%dma_start3A_89 : memref<128x40xf32, #tpu.memory_space<vmem>>) offsets(%dma_start3A_92 : memref<128xi32, #tpu.memory_space<vmem>>) semaphore(%arg11 : memref<!tpu.dma_semaphore, #tpu.memory_space<semaphore_mem>>)
        %add3A_96 = arith.constant 1 : i32
        %add3A_97 = arith.addi %mul3A_69, %add3A_96 : i32
        %dma_wait3A_98 = arith.constant 1 : i32
        %dma_wait3A_99 = arith.constant 0 : i32
        %dma_wait3A_100 = arith.constant 0 : i32
        %dma_wait3A_101 = tpu.memref_slice %run_scoped3A[%dma_wait3A_98, %dma_wait3A_99, %dma_wait3A_100] : memref<2x128x40xf32, #tpu.memory_space<vmem>> -> memref<1x128x40xf32, #tpu.memory_space<vmem>>
        %dma_wait3A_102 = tpu.memref_squeeze %dma_wait3A_101 : memref<1x128x40xf32, #tpu.memory_space<vmem>> -> memref<128x40xf32, #tpu.memory_space<vmem>>
        %dma_wait3A_103 = arith.constant 0 : i32
        %dma_wait3A_104 = tpu.memref_slice %arg7[%add3A_97, %dma_wait3A_103] : memref<40x128xi32, #tpu.memory_space<vmem>> -> memref<1x128xi32, #tpu.memory_space<vmem>>
        %dma_wait3A_105 = tpu.memref_squeeze %dma_wait3A_104 : memref<1x128xi32, #tpu.memory_space<vmem>> -> memref<128xi32, #tpu.memory_space<vmem>>
        %dma_wait3A_106 = arith.constant 0 : i32
        %dma_wait3A_107 = arith.constant 0 : i32
        %dma_wait3A_108 = tpu.memref_slice %arg9[%dma_wait3A_106, %dma_wait3A_107] : memref<10240x40xf32, #tpu.memory_space<vmem_shared>> -> memref<10240x40xf32, #tpu.memory_space<vmem_shared>>
        tpu.wait_indirect_dma semaphore(%arg12 : memref<!tpu.dma_semaphore, #tpu.memory_space<semaphore_mem>>) src(%dma_wait3A_108 : memref<10240x40xf32, #tpu.memory_space<vmem_shared>>) dst(%dma_wait3A_102 : memref<128x40xf32, #tpu.memory_space<vmem>>)
        %add3A_109 = arith.constant 1 : i32
        %add3A_110 = arith.addi %mul3A_69, %add3A_109 : i32
        %run_scoped3A_111 = arith.constant 1 : i32
        "tpu.region"() ({
          %run_scoped3A_128 = tpu.sem_alloc : memref<!tpu.dma_semaphore, #tpu.memory_space<semaphore_mem>>
          %dma_start3A_129 = arith.constant 0 : i32
          %dma_start3A_130 = arith.constant 0 : i32
          %dma_start3A_131 = tpu.memref_slice %run_scoped3A[%run_scoped3A_111, %dma_start3A_129, %dma_start3A_130] : memref<2x128x40xf32, #tpu.memory_space<vmem>> -> memref<1x128x40xf32, #tpu.memory_space<vmem>>
          %dma_start3A_132 = tpu.memref_squeeze %dma_start3A_131 : memref<1x128x40xf32, #tpu.memory_space<vmem>> -> memref<128x40xf32, #tpu.memory_space<vmem>>
          %dma_start3A_133 = arith.constant 0 : i32
          %dma_start3A_134 = tpu.memref_slice %arg8[%add3A_110, %dma_start3A_133] : memref<40x128xi32, #tpu.memory_space<vmem>> -> memref<1x128xi32, #tpu.memory_space<vmem>>
          %dma_start3A_135 = tpu.memref_squeeze %dma_start3A_134 : memref<1x128xi32, #tpu.memory_space<vmem>> -> memref<128xi32, #tpu.memory_space<vmem>>
          %dma_start3A_136 = arith.constant 0 : i32
          %dma_start3A_137 = arith.constant 0 : i32
          %dma_start3A_138 = tpu.memref_slice %arg10[%dma_start3A_136, %dma_start3A_137] : memref<10240x40xf32, #tpu.memory_space<vmem_shared>> -> memref<10240x40xf32, #tpu.memory_space<vmem_shared>>
          tpu.enqueue_indirect_dma source(%dma_start3A_132 : memref<128x40xf32, #tpu.memory_space<vmem>>) target(%dma_start3A_138 : memref<10240x40xf32, #tpu.memory_space<vmem_shared>>) offsets(%dma_start3A_135 : memref<128xi32, #tpu.memory_space<vmem>>) semaphore(%run_scoped3A_128 : memref<!tpu.dma_semaphore, #tpu.memory_space<semaphore_mem>>) {add = true}
          %dma_wait3A_139 = arith.constant 0 : i32
          %dma_wait3A_140 = arith.constant 0 : i32
          %dma_wait3A_141 = tpu.memref_slice %run_scoped3A[%run_scoped3A_111, %dma_wait3A_139, %dma_wait3A_140] : memref<2x128x40xf32, #tpu.memory_space<vmem>> -> memref<1x128x40xf32, #tpu.memory_space<vmem>>
          %dma_wait3A_142 = tpu.memref_squeeze %dma_wait3A_141 : memref<1x128x40xf32, #tpu.memory_space<vmem>> -> memref<128x40xf32, #tpu.memory_space<vmem>>
          %dma_wait3A_143 = arith.constant 0 : i32
          %dma_wait3A_144 = tpu.memref_slice %arg8[%add3A_110, %dma_wait3A_143] : memref<40x128xi32, #tpu.memory_space<vmem>> -> memref<1x128xi32, #tpu.memory_space<vmem>>
          %dma_wait3A_145 = tpu.memref_squeeze %dma_wait3A_144 : memref<1x128xi32, #tpu.memory_space<vmem>> -> memref<128xi32, #tpu.memory_space<vmem>>
          %dma_wait3A_146 = arith.constant 0 : i32
          %dma_wait3A_147 = arith.constant 0 : i32
          %dma_wait3A_148 = tpu.memref_slice %arg10[%dma_wait3A_146, %dma_wait3A_147] : memref<10240x40xf32, #tpu.memory_space<vmem_shared>> -> memref<10240x40xf32, #tpu.memory_space<vmem_shared>>
          tpu.wait_indirect_dma semaphore(%run_scoped3A_128 : memref<!tpu.dma_semaphore, #tpu.memory_space<semaphore_mem>>) src(%dma_wait3A_142 : memref<128x40xf32, #tpu.memory_space<vmem>>) dst(%dma_wait3A_148 : memref<10240x40xf32, #tpu.memory_space<vmem_shared>>)
          tpu.yield
        }) : () -> ()
        %add3A_112 = arith.constant 3 : i32
        %add3A_113 = arith.addi %mul3A_69, %add3A_112 : i32
        %min3A_114 = arith.constant 39 : i32
        %min3A_115 = arith.minsi %add3A_113, %min3A_114 : i32
        %dma_start3A_116 = arith.constant 1 : i32
        %dma_start3A_117 = arith.constant 0 : i32
        %dma_start3A_118 = arith.constant 0 : i32
        %dma_start3A_119 = tpu.memref_slice %run_scoped3A[%dma_start3A_116, %dma_start3A_117, %dma_start3A_118] : memref<2x128x40xf32, #tpu.memory_space<vmem>> -> memref<1x128x40xf32, #tpu.memory_space<vmem>>
        %dma_start3A_120 = tpu.memref_squeeze %dma_start3A_119 : memref<1x128x40xf32, #tpu.memory_space<vmem>> -> memref<128x40xf32, #tpu.memory_space<vmem>>
        %dma_start3A_121 = arith.constant 0 : i32
        %dma_start3A_122 = tpu.memref_slice %arg7[%min3A_115, %dma_start3A_121] : memref<40x128xi32, #tpu.memory_space<vmem>> -> memref<1x128xi32, #tpu.memory_space<vmem>>
        %dma_start3A_123 = tpu.memref_squeeze %dma_start3A_122 : memref<1x128xi32, #tpu.memory_space<vmem>> -> memref<128xi32, #tpu.memory_space<vmem>>
        %dma_start3A_124 = arith.constant 0 : i32
        %dma_start3A_125 = arith.constant 0 : i32
        %dma_start3A_126 = tpu.memref_slice %arg9[%dma_start3A_124, %dma_start3A_125] : memref<10240x40xf32, #tpu.memory_space<vmem_shared>> -> memref<10240x40xf32, #tpu.memory_space<vmem_shared>>
        tpu.enqueue_indirect_dma source(%dma_start3A_126 : memref<10240x40xf32, #tpu.memory_space<vmem_shared>>) target(%dma_start3A_120 : memref<128x40xf32, #tpu.memory_space<vmem>>) offsets(%dma_start3A_123 : memref<128xi32, #tpu.memory_space<vmem>>) semaphore(%arg12 : memref<!tpu.dma_semaphore, #tpu.memory_space<semaphore_mem>>)
        %scan3A_127 = arith.constant 0 : i32
        scf.yield %scan3A_127 : i32
      }
      %scan3A_42 = arith.constant 20 : i32
      %dma_wait3A = arith.constant 38 : i32
      %dma_wait3A_43 = arith.constant 0 : i32
      %dma_wait3A_44 = arith.constant 0 : i32
      %dma_wait3A_45 = arith.constant 0 : i32
      %dma_wait3A_46 = tpu.memref_slice %run_scoped3A[%dma_wait3A_43, %dma_wait3A_44, %dma_wait3A_45] : memref<2x128x40xf32, #tpu.memory_space<vmem>> -> memref<1x128x40xf32, #tpu.memory_space<vmem>>
      %dma_wait3A_47 = tpu.memref_squeeze %dma_wait3A_46 : memref<1x128x40xf32, #tpu.memory_space<vmem>> -> memref<128x40xf32, #tpu.memory_space<vmem>>
      %dma_wait3A_48 = arith.constant 0 : i32
      %dma_wait3A_49 = tpu.memref_slice %arg7[%dma_wait3A, %dma_wait3A_48] : memref<40x128xi32, #tpu.memory_space<vmem>> -> memref<1x128xi32, #tpu.memory_space<vmem>>
      %dma_wait3A_50 = tpu.memref_squeeze %dma_wait3A_49 : memref<1x128xi32, #tpu.memory_space<vmem>> -> memref<128xi32, #tpu.memory_space<vmem>>
      %dma_wait3A_51 = arith.constant 0 : i32
      %dma_wait3A_52 = arith.constant 0 : i32
      %dma_wait3A_53 = tpu.memref_slice %arg9[%dma_wait3A_51, %dma_wait3A_52] : memref<10240x40xf32, #tpu.memory_space<vmem_shared>> -> memref<10240x40xf32, #tpu.memory_space<vmem_shared>>
      tpu.wait_indirect_dma semaphore(%arg11 : memref<!tpu.dma_semaphore, #tpu.memory_space<semaphore_mem>>) src(%dma_wait3A_53 : memref<10240x40xf32, #tpu.memory_space<vmem_shared>>) dst(%dma_wait3A_47 : memref<128x40xf32, #tpu.memory_space<vmem>>)
      %dma_wait3A_54 = arith.constant 39 : i32
      %dma_wait3A_55 = arith.constant 1 : i32
      %dma_wait3A_56 = arith.constant 0 : i32
      %dma_wait3A_57 = arith.constant 0 : i32
      %dma_wait3A_58 = tpu.memref_slice %run_scoped3A[%dma_wait3A_55, %dma_wait3A_56, %dma_wait3A_57] : memref<2x128x40xf32, #tpu.memory_space<vmem>> -> memref<1x128x40xf32, #tpu.memory_space<vmem>>
      %dma_wait3A_59 = tpu.memref_squeeze %dma_wait3A_58 : memref<1x128x40xf32, #tpu.memory_space<vmem>> -> memref<128x40xf32, #tpu.memory_space<vmem>>
      %dma_wait3A_60 = arith.constant 0 : i32
      %dma_wait3A_61 = tpu.memref_slice %arg7[%dma_wait3A_54, %dma_wait3A_60] : memref<40x128xi32, #tpu.memory_space<vmem>> -> memref<1x128xi32, #tpu.memory_space<vmem>>
      %dma_wait3A_62 = tpu.memref_squeeze %dma_wait3A_61 : memref<1x128xi32, #tpu.memory_space<vmem>> -> memref<128xi32, #tpu.memory_space<vmem>>
      %dma_wait3A_63 = arith.constant 0 : i32
      %dma_wait3A_64 = arith.constant 0 : i32
      %dma_wait3A_65 = tpu.memref_slice %arg9[%dma_wait3A_63, %dma_wait3A_64] : memref<10240x40xf32, #tpu.memory_space<vmem_shared>> -> memref<10240x40xf32, #tpu.memory_space<vmem_shared>>
      tpu.wait_indirect_dma semaphore(%arg12 : memref<!tpu.dma_semaphore, #tpu.memory_space<semaphore_mem>>) src(%dma_wait3A_65 : memref<10240x40xf32, #tpu.memory_space<vmem_shared>>) dst(%dma_wait3A_59 : memref<128x40xf32, #tpu.memory_space<vmem>>)
      tpu.yield
    }) : () -> ()
    %barrier3A_9 = arith.constant 0 : index
    tpu.barrier barrier_id(%barrier3A_9)
    %mul3A_10 = arith.constant 640 : i32
    %mul3A_11 = arith.muli %arg1, %mul3A_10 : i32
    %mul3A_12 = arith.constant 640 : i32
    %mul3A_13 = arith.muli %arg1, %mul3A_12 : i32
    "tpu.region"() ({
      %run_scoped3A = tpu.sem_alloc : memref<!tpu.dma_semaphore, #tpu.memory_space<semaphore_mem>>
      %dma_start3A = arith.constant 0 : i32
      %dma_start3A_14 = tpu.memref_slice %arg6[%arg0, %mul3A_13, %dma_start3A] : memref<2x10240x40xf32, #tpu.memory_space<hbm>> -> memref<1x640x40xf32, #tpu.memory_space<hbm>>
      %dma_start3A_15 = tpu.memref_squeeze %dma_start3A_14 : memref<1x640x40xf32, #tpu.memory_space<hbm>> -> memref<640x40xf32, #tpu.memory_space<hbm>>
      %dma_start3A_16 = arith.constant 0 : i32
      %dma_start3A_17 = tpu.memref_slice %arg10[%mul3A_11, %dma_start3A_16] : memref<10240x40xf32, #tpu.memory_space<vmem_shared>> -> memref<640x40xf32, #tpu.memory_space<vmem_shared>>
      tpu.enqueue_dma source(%dma_start3A_17 : memref<640x40xf32, #tpu.memory_space<vmem_shared>>) target(%dma_start3A_15 : memref<640x40xf32, #tpu.memory_space<hbm>>) target_semaphore(%run_scoped3A : memref<!tpu.dma_semaphore, #tpu.memory_space<semaphore_mem>>)
      %dma_wait3A = arith.constant 0 : i32
      %dma_wait3A_18 = tpu.memref_slice %arg6[%arg0, %mul3A_13, %dma_wait3A] : memref<2x10240x40xf32, #tpu.memory_space<hbm>> -> memref<1x640x40xf32, #tpu.memory_space<hbm>>
      %dma_wait3A_19 = tpu.memref_squeeze %dma_wait3A_18 : memref<1x640x40xf32, #tpu.memory_space<hbm>> -> memref<640x40xf32, #tpu.memory_space<hbm>>
      %dma_wait3A_20 = arith.constant 0 : i32
      %dma_wait3A_21 = tpu.memref_slice %arg10[%mul3A_11, %dma_wait3A_20] : memref<10240x40xf32, #tpu.memory_space<vmem_shared>> -> memref<640x40xf32, #tpu.memory_space<vmem_shared>>
      tpu.wait_dma2 semaphore(%run_scoped3A : memref<!tpu.dma_semaphore, #tpu.memory_space<semaphore_mem>>) src(%dma_wait3A_21 : memref<640x40xf32, #tpu.memory_space<vmem_shared>>) dst(%dma_wait3A_19 : memref<640x40xf32, #tpu.memory_space<hbm>>)
      tpu.yield
    }) : () -> ()
    return
  }
}

#map = affine_map<(d0, d1) -> (0, 0)>
#map1 = affine_map<(d0, d1) -> (0, 0, 0, 0)>
#map2 = affine_map<(d0, d1) -> (0, 0, 0)>
module attributes {stable_mosaic.version = 14 : i64} {
  func.func @sc_agg1(%arg0: i32, %arg1: i32, %arg2: memref<20000x128xf32, #tpu.memory_space<hbm>>, %arg3: memref<2x16x80x128xi32, #tpu.memory_space<hbm>>, %arg4: memref<16x80x128xi32, #tpu.memory_space<hbm>>, %arg5: memref<10240x128xf32, #tpu.memory_space<hbm>>, %arg6: memref<2x10240x128xf32, #tpu.memory_space<hbm>>, %arg7: memref<40x128xi32, #tpu.memory_space<vmem>>, %arg8: memref<40x128xi32, #tpu.memory_space<vmem>>, %arg9: memref<10240x128xf32, #tpu.memory_space<vmem_shared>>, %arg10: memref<!tpu.dma_semaphore, #tpu.memory_space<semaphore_mem>>, %arg11: memref<!tpu.dma_semaphore, #tpu.memory_space<semaphore_mem>>) attributes {dimension_semantics = [#tpu.dimension_semantics<core_parallel>, #tpu.dimension_semantics<subcore_parallel>], iteration_bounds = array<i64: 2, 16>, scalar_prefetch = 0 : i64, scratch_operands = 5 : i64, tpu.core_type = #tpu.core_type<sc_vector_subcore>, window_params = [{transform_indices = #map}, {transform_indices = #map1}, {transform_indices = #map2}, {transform_indices = #map}, {transform_indices = #map2}]} {
    %mul3A = arith.constant 640 : i32
    %mul3A_0 = arith.muli %arg1, %mul3A : i32
    %mul3A_1 = arith.constant 640 : i32
    %mul3A_2 = arith.muli %arg1, %mul3A_1 : i32
    "tpu.region"() ({
      %run_scoped3A = tpu.sem_alloc : memref<!tpu.dma_semaphore, #tpu.memory_space<semaphore_mem>>
      %dma_start3A = arith.constant 0 : i32
      %dma_start3A_8 = tpu.memref_slice %arg9[%mul3A_2, %dma_start3A] : memref<10240x128xf32, #tpu.memory_space<vmem_shared>> -> memref<640x128xf32, #tpu.memory_space<vmem_shared>>
      %dma_start3A_9 = arith.constant 0 : i32
      %dma_start3A_10 = tpu.memref_slice %arg5[%mul3A_0, %dma_start3A_9] : memref<10240x128xf32, #tpu.memory_space<hbm>> -> memref<640x128xf32, #tpu.memory_space<hbm>>
      tpu.enqueue_dma source(%dma_start3A_10 : memref<640x128xf32, #tpu.memory_space<hbm>>) target(%dma_start3A_8 : memref<640x128xf32, #tpu.memory_space<vmem_shared>>) target_semaphore(%run_scoped3A : memref<!tpu.dma_semaphore, #tpu.memory_space<semaphore_mem>>)
      %dma_wait3A = arith.constant 0 : i32
      %dma_wait3A_11 = tpu.memref_slice %arg9[%mul3A_2, %dma_wait3A] : memref<10240x128xf32, #tpu.memory_space<vmem_shared>> -> memref<640x128xf32, #tpu.memory_space<vmem_shared>>
      %dma_wait3A_12 = arith.constant 0 : i32
      %dma_wait3A_13 = tpu.memref_slice %arg5[%mul3A_0, %dma_wait3A_12] : memref<10240x128xf32, #tpu.memory_space<hbm>> -> memref<640x128xf32, #tpu.memory_space<hbm>>
      tpu.wait_dma2 semaphore(%run_scoped3A : memref<!tpu.dma_semaphore, #tpu.memory_space<semaphore_mem>>) src(%dma_wait3A_13 : memref<640x128xf32, #tpu.memory_space<hbm>>) dst(%dma_wait3A_11 : memref<640x128xf32, #tpu.memory_space<vmem_shared>>)
      tpu.yield
    }) : () -> ()
    %barrier3A = arith.constant 0 : index
    tpu.barrier barrier_id(%barrier3A)
    "tpu.region"() ({
      %run_scoped3A = memref.alloca() : memref<2x128x128xf32, #tpu.memory_space<vmem>>
      "tpu.region"() ({
        %run_scoped3A_115 = tpu.sem_alloc : memref<!tpu.dma_semaphore, #tpu.memory_space<semaphore_mem>>
        %dma_start3A_116 = arith.constant 0 : i32
        %dma_start3A_117 = arith.constant 0 : i32
        %dma_start3A_118 = tpu.memref_slice %arg3[%arg0, %arg1, %dma_start3A_116, %dma_start3A_117] : memref<2x16x80x128xi32, #tpu.memory_space<hbm>> -> memref<1x1x40x128xi32, #tpu.memory_space<hbm>>
        %dma_start3A_119 = tpu.memref_squeeze %dma_start3A_118 : memref<1x1x40x128xi32, #tpu.memory_space<hbm>> -> memref<40x128xi32, #tpu.memory_space<hbm>>
        %dma_start3A_120 = arith.constant 0 : i32
        %dma_start3A_121 = arith.constant 0 : i32
        %dma_start3A_122 = tpu.memref_slice %arg3[%arg0, %arg1, %dma_start3A_120, %dma_start3A_121] : memref<2x16x80x128xi32, #tpu.memory_space<hbm>> -> memref<1x1x40x128xi32, #tpu.memory_space<hbm>>
        %dma_start3A_123 = tpu.memref_squeeze %dma_start3A_122 : memref<1x1x40x128xi32, #tpu.memory_space<hbm>> -> memref<40x128xi32, #tpu.memory_space<hbm>>
        tpu.enqueue_dma source(%dma_start3A_123 : memref<40x128xi32, #tpu.memory_space<hbm>>) target(%arg7 : memref<40x128xi32, #tpu.memory_space<vmem>>) target_semaphore(%run_scoped3A_115 : memref<!tpu.dma_semaphore, #tpu.memory_space<semaphore_mem>>)
        %dma_wait3A_124 = arith.constant 0 : i32
        %dma_wait3A_125 = arith.constant 0 : i32
        %dma_wait3A_126 = tpu.memref_slice %arg3[%arg0, %arg1, %dma_wait3A_124, %dma_wait3A_125] : memref<2x16x80x128xi32, #tpu.memory_space<hbm>> -> memref<1x1x40x128xi32, #tpu.memory_space<hbm>>
        %dma_wait3A_127 = tpu.memref_squeeze %dma_wait3A_126 : memref<1x1x40x128xi32, #tpu.memory_space<hbm>> -> memref<40x128xi32, #tpu.memory_space<hbm>>
        %dma_wait3A_128 = arith.constant 0 : i32
        %dma_wait3A_129 = arith.constant 0 : i32
        %dma_wait3A_130 = tpu.memref_slice %arg3[%arg0, %arg1, %dma_wait3A_128, %dma_wait3A_129] : memref<2x16x80x128xi32, #tpu.memory_space<hbm>> -> memref<1x1x40x128xi32, #tpu.memory_space<hbm>>
        %dma_wait3A_131 = tpu.memref_squeeze %dma_wait3A_130 : memref<1x1x40x128xi32, #tpu.memory_space<hbm>> -> memref<40x128xi32, #tpu.memory_space<hbm>>
        tpu.wait_dma2 semaphore(%run_scoped3A_115 : memref<!tpu.dma_semaphore, #tpu.memory_space<semaphore_mem>>) src(%dma_wait3A_131 : memref<40x128xi32, #tpu.memory_space<hbm>>) dst(%arg7 : memref<40x128xi32, #tpu.memory_space<vmem>>)
        tpu.yield
      }) : () -> ()
      "tpu.region"() ({
        %run_scoped3A_115 = tpu.sem_alloc : memref<!tpu.dma_semaphore, #tpu.memory_space<semaphore_mem>>
        %dma_start3A_116 = arith.constant 0 : i32
        %dma_start3A_117 = arith.constant 0 : i32
        %dma_start3A_118 = tpu.memref_slice %arg4[%arg1, %dma_start3A_116, %dma_start3A_117] : memref<16x80x128xi32, #tpu.memory_space<hbm>> -> memref<1x40x128xi32, #tpu.memory_space<hbm>>
        %dma_start3A_119 = tpu.memref_squeeze %dma_start3A_118 : memref<1x40x128xi32, #tpu.memory_space<hbm>> -> memref<40x128xi32, #tpu.memory_space<hbm>>
        %dma_start3A_120 = arith.constant 0 : i32
        %dma_start3A_121 = arith.constant 0 : i32
        %dma_start3A_122 = tpu.memref_slice %arg4[%arg1, %dma_start3A_120, %dma_start3A_121] : memref<16x80x128xi32, #tpu.memory_space<hbm>> -> memref<1x40x128xi32, #tpu.memory_space<hbm>>
        %dma_start3A_123 = tpu.memref_squeeze %dma_start3A_122 : memref<1x40x128xi32, #tpu.memory_space<hbm>> -> memref<40x128xi32, #tpu.memory_space<hbm>>
        tpu.enqueue_dma source(%dma_start3A_123 : memref<40x128xi32, #tpu.memory_space<hbm>>) target(%arg8 : memref<40x128xi32, #tpu.memory_space<vmem>>) target_semaphore(%run_scoped3A_115 : memref<!tpu.dma_semaphore, #tpu.memory_space<semaphore_mem>>)
        %dma_wait3A_124 = arith.constant 0 : i32
        %dma_wait3A_125 = arith.constant 0 : i32
        %dma_wait3A_126 = tpu.memref_slice %arg4[%arg1, %dma_wait3A_124, %dma_wait3A_125] : memref<16x80x128xi32, #tpu.memory_space<hbm>> -> memref<1x40x128xi32, #tpu.memory_space<hbm>>
        %dma_wait3A_127 = tpu.memref_squeeze %dma_wait3A_126 : memref<1x40x128xi32, #tpu.memory_space<hbm>> -> memref<40x128xi32, #tpu.memory_space<hbm>>
        %dma_wait3A_128 = arith.constant 0 : i32
        %dma_wait3A_129 = arith.constant 0 : i32
        %dma_wait3A_130 = tpu.memref_slice %arg4[%arg1, %dma_wait3A_128, %dma_wait3A_129] : memref<16x80x128xi32, #tpu.memory_space<hbm>> -> memref<1x40x128xi32, #tpu.memory_space<hbm>>
        %dma_wait3A_131 = tpu.memref_squeeze %dma_wait3A_130 : memref<1x40x128xi32, #tpu.memory_space<hbm>> -> memref<40x128xi32, #tpu.memory_space<hbm>>
        tpu.wait_dma2 semaphore(%run_scoped3A_115 : memref<!tpu.dma_semaphore, #tpu.memory_space<semaphore_mem>>) src(%dma_wait3A_131 : memref<40x128xi32, #tpu.memory_space<hbm>>) dst(%arg8 : memref<40x128xi32, #tpu.memory_space<vmem>>)
        tpu.yield
      }) : () -> ()
      %dma_start3A = arith.constant 0 : i32
      %dma_start3A_8 = arith.constant 0 : i32
      %dma_start3A_9 = arith.constant 0 : i32
      %dma_start3A_10 = arith.constant 0 : i32
      %dma_start3A_11 = tpu.memref_slice %run_scoped3A[%dma_start3A_8, %dma_start3A_9, %dma_start3A_10] : memref<2x128x128xf32, #tpu.memory_space<vmem>> -> memref<1x128x128xf32, #tpu.memory_space<vmem>>
      %dma_start3A_12 = tpu.memref_squeeze %dma_start3A_11 : memref<1x128x128xf32, #tpu.memory_space<vmem>> -> memref<128x128xf32, #tpu.memory_space<vmem>>
      %dma_start3A_13 = arith.constant 0 : i32
      %dma_start3A_14 = tpu.memref_slice %arg7[%dma_start3A, %dma_start3A_13] : memref<40x128xi32, #tpu.memory_space<vmem>> -> memref<1x128xi32, #tpu.memory_space<vmem>>
      %dma_start3A_15 = tpu.memref_squeeze %dma_start3A_14 : memref<1x128xi32, #tpu.memory_space<vmem>> -> memref<128xi32, #tpu.memory_space<vmem>>
      %dma_start3A_16 = arith.constant 0 : i32
      %dma_start3A_17 = arith.constant 0 : i32
      %dma_start3A_18 = tpu.memref_slice %arg2[%dma_start3A_16, %dma_start3A_17] : memref<20000x128xf32, #tpu.memory_space<hbm>> -> memref<20000x128xf32, #tpu.memory_space<hbm>>
      tpu.enqueue_indirect_dma source(%dma_start3A_18 : memref<20000x128xf32, #tpu.memory_space<hbm>>) target(%dma_start3A_12 : memref<128x128xf32, #tpu.memory_space<vmem>>) offsets(%dma_start3A_15 : memref<128xi32, #tpu.memory_space<vmem>>) semaphore(%arg10 : memref<!tpu.dma_semaphore, #tpu.memory_space<semaphore_mem>>)
      %dma_start3A_19 = arith.constant 1 : i32
      %dma_start3A_20 = arith.constant 1 : i32
      %dma_start3A_21 = arith.constant 0 : i32
      %dma_start3A_22 = arith.constant 0 : i32
      %dma_start3A_23 = tpu.memref_slice %run_scoped3A[%dma_start3A_20, %dma_start3A_21, %dma_start3A_22] : memref<2x128x128xf32, #tpu.memory_space<vmem>> -> memref<1x128x128xf32, #tpu.memory_space<vmem>>
      %dma_start3A_24 = tpu.memref_squeeze %dma_start3A_23 : memref<1x128x128xf32, #tpu.memory_space<vmem>> -> memref<128x128xf32, #tpu.memory_space<vmem>>
      %dma_start3A_25 = arith.constant 0 : i32
      %dma_start3A_26 = tpu.memref_slice %arg7[%dma_start3A_19, %dma_start3A_25] : memref<40x128xi32, #tpu.memory_space<vmem>> -> memref<1x128xi32, #tpu.memory_space<vmem>>
      %dma_start3A_27 = tpu.memref_squeeze %dma_start3A_26 : memref<1x128xi32, #tpu.memory_space<vmem>> -> memref<128xi32, #tpu.memory_space<vmem>>
      %dma_start3A_28 = arith.constant 0 : i32
      %dma_start3A_29 = arith.constant 0 : i32
      %dma_start3A_30 = tpu.memref_slice %arg2[%dma_start3A_28, %dma_start3A_29] : memref<20000x128xf32, #tpu.memory_space<hbm>> -> memref<20000x128xf32, #tpu.memory_space<hbm>>
      tpu.enqueue_indirect_dma source(%dma_start3A_30 : memref<20000x128xf32, #tpu.memory_space<hbm>>) target(%dma_start3A_24 : memref<128x128xf32, #tpu.memory_space<vmem>>) offsets(%dma_start3A_27 : memref<128xi32, #tpu.memory_space<vmem>>) semaphore(%arg11 : memref<!tpu.dma_semaphore, #tpu.memory_space<semaphore_mem>>)
      %scan3A = arith.constant 0 : i32
      %scan3A_31 = arith.constant 0 : i32
      %scan3A_32 = arith.constant 20 : i32
      %scan3A_33 = arith.addi %scan3A_31, %scan3A_32 : i32
      %scan3A_34 = arith.constant 1 : i32
      %scan3A_35 = scf.for %scan3A_115 = %scan3A_31 to %scan3A_33 step %scan3A_34 iter_args(%scan3A_116 = %scan3A) -> (i32)  : i32 {
        %mul3A_117 = arith.constant 2 : i32
        %mul3A_118 = arith.muli %mul3A_117, %scan3A_115 : i32
        %dma_wait3A_119 = arith.constant 0 : i32
        %dma_wait3A_120 = arith.constant 0 : i32
        %dma_wait3A_121 = arith.constant 0 : i32
        %dma_wait3A_122 = tpu.memref_slice %run_scoped3A[%dma_wait3A_119, %dma_wait3A_120, %dma_wait3A_121] : memref<2x128x128xf32, #tpu.memory_space<vmem>> -> memref<1x128x128xf32, #tpu.memory_space<vmem>>
        %dma_wait3A_123 = tpu.memref_squeeze %dma_wait3A_122 : memref<1x128x128xf32, #tpu.memory_space<vmem>> -> memref<128x128xf32, #tpu.memory_space<vmem>>
        %dma_wait3A_124 = arith.constant 0 : i32
        %dma_wait3A_125 = tpu.memref_slice %arg7[%mul3A_118, %dma_wait3A_124] : memref<40x128xi32, #tpu.memory_space<vmem>> -> memref<1x128xi32, #tpu.memory_space<vmem>>
        %dma_wait3A_126 = tpu.memref_squeeze %dma_wait3A_125 : memref<1x128xi32, #tpu.memory_space<vmem>> -> memref<128xi32, #tpu.memory_space<vmem>>
        %dma_wait3A_127 = arith.constant 0 : i32
        %dma_wait3A_128 = arith.constant 0 : i32
        %dma_wait3A_129 = tpu.memref_slice %arg2[%dma_wait3A_127, %dma_wait3A_128] : memref<20000x128xf32, #tpu.memory_space<hbm>> -> memref<20000x128xf32, #tpu.memory_space<hbm>>
        tpu.wait_indirect_dma semaphore(%arg10 : memref<!tpu.dma_semaphore, #tpu.memory_space<semaphore_mem>>) src(%dma_wait3A_129 : memref<20000x128xf32, #tpu.memory_space<hbm>>) dst(%dma_wait3A_123 : memref<128x128xf32, #tpu.memory_space<vmem>>)
        %run_scoped3A_130 = arith.constant 0 : i32
        "tpu.region"() ({
          %run_scoped3A_176 = tpu.sem_alloc : memref<!tpu.dma_semaphore, #tpu.memory_space<semaphore_mem>>
          %dma_start3A_177 = arith.constant 0 : i32
          %dma_start3A_178 = arith.constant 0 : i32
          %dma_start3A_179 = tpu.memref_slice %run_scoped3A[%run_scoped3A_130, %dma_start3A_177, %dma_start3A_178] : memref<2x128x128xf32, #tpu.memory_space<vmem>> -> memref<1x128x128xf32, #tpu.memory_space<vmem>>
          %dma_start3A_180 = tpu.memref_squeeze %dma_start3A_179 : memref<1x128x128xf32, #tpu.memory_space<vmem>> -> memref<128x128xf32, #tpu.memory_space<vmem>>
          %dma_start3A_181 = arith.constant 0 : i32
          %dma_start3A_182 = tpu.memref_slice %arg8[%mul3A_118, %dma_start3A_181] : memref<40x128xi32, #tpu.memory_space<vmem>> -> memref<1x128xi32, #tpu.memory_space<vmem>>
          %dma_start3A_183 = tpu.memref_squeeze %dma_start3A_182 : memref<1x128xi32, #tpu.memory_space<vmem>> -> memref<128xi32, #tpu.memory_space<vmem>>
          %dma_start3A_184 = arith.constant 0 : i32
          %dma_start3A_185 = arith.constant 0 : i32
          %dma_start3A_186 = tpu.memref_slice %arg9[%dma_start3A_184, %dma_start3A_185] : memref<10240x128xf32, #tpu.memory_space<vmem_shared>> -> memref<10240x128xf32, #tpu.memory_space<vmem_shared>>
          tpu.enqueue_indirect_dma source(%dma_start3A_180 : memref<128x128xf32, #tpu.memory_space<vmem>>) target(%dma_start3A_186 : memref<10240x128xf32, #tpu.memory_space<vmem_shared>>) offsets(%dma_start3A_183 : memref<128xi32, #tpu.memory_space<vmem>>) semaphore(%run_scoped3A_176 : memref<!tpu.dma_semaphore, #tpu.memory_space<semaphore_mem>>) {add = true}
          %dma_wait3A_187 = arith.constant 0 : i32
          %dma_wait3A_188 = arith.constant 0 : i32
          %dma_wait3A_189 = tpu.memref_slice %run_scoped3A[%run_scoped3A_130, %dma_wait3A_187, %dma_wait3A_188] : memref<2x128x128xf32, #tpu.memory_space<vmem>> -> memref<1x128x128xf32, #tpu.memory_space<vmem>>
          %dma_wait3A_190 = tpu.memref_squeeze %dma_wait3A_189 : memref<1x128x128xf32, #tpu.memory_space<vmem>> -> memref<128x128xf32, #tpu.memory_space<vmem>>
          %dma_wait3A_191 = arith.constant 0 : i32
          %dma_wait3A_192 = tpu.memref_slice %arg8[%mul3A_118, %dma_wait3A_191] : memref<40x128xi32, #tpu.memory_space<vmem>> -> memref<1x128xi32, #tpu.memory_space<vmem>>
          %dma_wait3A_193 = tpu.memref_squeeze %dma_wait3A_192 : memref<1x128xi32, #tpu.memory_space<vmem>> -> memref<128xi32, #tpu.memory_space<vmem>>
          %dma_wait3A_194 = arith.constant 0 : i32
          %dma_wait3A_195 = arith.constant 0 : i32
          %dma_wait3A_196 = tpu.memref_slice %arg9[%dma_wait3A_194, %dma_wait3A_195] : memref<10240x128xf32, #tpu.memory_space<vmem_shared>> -> memref<10240x128xf32, #tpu.memory_space<vmem_shared>>
          tpu.wait_indirect_dma semaphore(%run_scoped3A_176 : memref<!tpu.dma_semaphore, #tpu.memory_space<semaphore_mem>>) src(%dma_wait3A_190 : memref<128x128xf32, #tpu.memory_space<vmem>>) dst(%dma_wait3A_196 : memref<10240x128xf32, #tpu.memory_space<vmem_shared>>)
          tpu.yield
        }) : () -> ()
        %add3A = arith.constant 2 : i32
        %add3A_131 = arith.addi %mul3A_118, %add3A : i32
        %min3A = arith.constant 38 : i32
        %min3A_132 = arith.minsi %add3A_131, %min3A : i32
        %dma_start3A_133 = arith.constant 0 : i32
        %dma_start3A_134 = arith.constant 0 : i32
        %dma_start3A_135 = arith.constant 0 : i32
        %dma_start3A_136 = tpu.memref_slice %run_scoped3A[%dma_start3A_133, %dma_start3A_134, %dma_start3A_135] : memref<2x128x128xf32, #tpu.memory_space<vmem>> -> memref<1x128x128xf32, #tpu.memory_space<vmem>>
        %dma_start3A_137 = tpu.memref_squeeze %dma_start3A_136 : memref<1x128x128xf32, #tpu.memory_space<vmem>> -> memref<128x128xf32, #tpu.memory_space<vmem>>
        %dma_start3A_138 = arith.constant 0 : i32
        %dma_start3A_139 = tpu.memref_slice %arg7[%min3A_132, %dma_start3A_138] : memref<40x128xi32, #tpu.memory_space<vmem>> -> memref<1x128xi32, #tpu.memory_space<vmem>>
        %dma_start3A_140 = tpu.memref_squeeze %dma_start3A_139 : memref<1x128xi32, #tpu.memory_space<vmem>> -> memref<128xi32, #tpu.memory_space<vmem>>
        %dma_start3A_141 = arith.constant 0 : i32
        %dma_start3A_142 = arith.constant 0 : i32
        %dma_start3A_143 = tpu.memref_slice %arg2[%dma_start3A_141, %dma_start3A_142] : memref<20000x128xf32, #tpu.memory_space<hbm>> -> memref<20000x128xf32, #tpu.memory_space<hbm>>
        tpu.enqueue_indirect_dma source(%dma_start3A_143 : memref<20000x128xf32, #tpu.memory_space<hbm>>) target(%dma_start3A_137 : memref<128x128xf32, #tpu.memory_space<vmem>>) offsets(%dma_start3A_140 : memref<128xi32, #tpu.memory_space<vmem>>) semaphore(%arg10 : memref<!tpu.dma_semaphore, #tpu.memory_space<semaphore_mem>>)
        %add3A_144 = arith.constant 1 : i32
        %add3A_145 = arith.addi %mul3A_118, %add3A_144 : i32
        %dma_wait3A_146 = arith.constant 1 : i32
        %dma_wait3A_147 = arith.constant 0 : i32
        %dma_wait3A_148 = arith.constant 0 : i32
        %dma_wait3A_149 = tpu.memref_slice %run_scoped3A[%dma_wait3A_146, %dma_wait3A_147, %dma_wait3A_148] : memref<2x128x128xf32, #tpu.memory_space<vmem>> -> memref<1x128x128xf32, #tpu.memory_space<vmem>>
        %dma_wait3A_150 = tpu.memref_squeeze %dma_wait3A_149 : memref<1x128x128xf32, #tpu.memory_space<vmem>> -> memref<128x128xf32, #tpu.memory_space<vmem>>
        %dma_wait3A_151 = arith.constant 0 : i32
        %dma_wait3A_152 = tpu.memref_slice %arg7[%add3A_145, %dma_wait3A_151] : memref<40x128xi32, #tpu.memory_space<vmem>> -> memref<1x128xi32, #tpu.memory_space<vmem>>
        %dma_wait3A_153 = tpu.memref_squeeze %dma_wait3A_152 : memref<1x128xi32, #tpu.memory_space<vmem>> -> memref<128xi32, #tpu.memory_space<vmem>>
        %dma_wait3A_154 = arith.constant 0 : i32
        %dma_wait3A_155 = arith.constant 0 : i32
        %dma_wait3A_156 = tpu.memref_slice %arg2[%dma_wait3A_154, %dma_wait3A_155] : memref<20000x128xf32, #tpu.memory_space<hbm>> -> memref<20000x128xf32, #tpu.memory_space<hbm>>
        tpu.wait_indirect_dma semaphore(%arg11 : memref<!tpu.dma_semaphore, #tpu.memory_space<semaphore_mem>>) src(%dma_wait3A_156 : memref<20000x128xf32, #tpu.memory_space<hbm>>) dst(%dma_wait3A_150 : memref<128x128xf32, #tpu.memory_space<vmem>>)
        %add3A_157 = arith.constant 1 : i32
        %add3A_158 = arith.addi %mul3A_118, %add3A_157 : i32
        %run_scoped3A_159 = arith.constant 1 : i32
        "tpu.region"() ({
          %run_scoped3A_176 = tpu.sem_alloc : memref<!tpu.dma_semaphore, #tpu.memory_space<semaphore_mem>>
          %dma_start3A_177 = arith.constant 0 : i32
          %dma_start3A_178 = arith.constant 0 : i32
          %dma_start3A_179 = tpu.memref_slice %run_scoped3A[%run_scoped3A_159, %dma_start3A_177, %dma_start3A_178] : memref<2x128x128xf32, #tpu.memory_space<vmem>> -> memref<1x128x128xf32, #tpu.memory_space<vmem>>
          %dma_start3A_180 = tpu.memref_squeeze %dma_start3A_179 : memref<1x128x128xf32, #tpu.memory_space<vmem>> -> memref<128x128xf32, #tpu.memory_space<vmem>>
          %dma_start3A_181 = arith.constant 0 : i32
          %dma_start3A_182 = tpu.memref_slice %arg8[%add3A_158, %dma_start3A_181] : memref<40x128xi32, #tpu.memory_space<vmem>> -> memref<1x128xi32, #tpu.memory_space<vmem>>
          %dma_start3A_183 = tpu.memref_squeeze %dma_start3A_182 : memref<1x128xi32, #tpu.memory_space<vmem>> -> memref<128xi32, #tpu.memory_space<vmem>>
          %dma_start3A_184 = arith.constant 0 : i32
          %dma_start3A_185 = arith.constant 0 : i32
          %dma_start3A_186 = tpu.memref_slice %arg9[%dma_start3A_184, %dma_start3A_185] : memref<10240x128xf32, #tpu.memory_space<vmem_shared>> -> memref<10240x128xf32, #tpu.memory_space<vmem_shared>>
          tpu.enqueue_indirect_dma source(%dma_start3A_180 : memref<128x128xf32, #tpu.memory_space<vmem>>) target(%dma_start3A_186 : memref<10240x128xf32, #tpu.memory_space<vmem_shared>>) offsets(%dma_start3A_183 : memref<128xi32, #tpu.memory_space<vmem>>) semaphore(%run_scoped3A_176 : memref<!tpu.dma_semaphore, #tpu.memory_space<semaphore_mem>>) {add = true}
          %dma_wait3A_187 = arith.constant 0 : i32
          %dma_wait3A_188 = arith.constant 0 : i32
          %dma_wait3A_189 = tpu.memref_slice %run_scoped3A[%run_scoped3A_159, %dma_wait3A_187, %dma_wait3A_188] : memref<2x128x128xf32, #tpu.memory_space<vmem>> -> memref<1x128x128xf32, #tpu.memory_space<vmem>>
          %dma_wait3A_190 = tpu.memref_squeeze %dma_wait3A_189 : memref<1x128x128xf32, #tpu.memory_space<vmem>> -> memref<128x128xf32, #tpu.memory_space<vmem>>
          %dma_wait3A_191 = arith.constant 0 : i32
          %dma_wait3A_192 = tpu.memref_slice %arg8[%add3A_158, %dma_wait3A_191] : memref<40x128xi32, #tpu.memory_space<vmem>> -> memref<1x128xi32, #tpu.memory_space<vmem>>
          %dma_wait3A_193 = tpu.memref_squeeze %dma_wait3A_192 : memref<1x128xi32, #tpu.memory_space<vmem>> -> memref<128xi32, #tpu.memory_space<vmem>>
          %dma_wait3A_194 = arith.constant 0 : i32
          %dma_wait3A_195 = arith.constant 0 : i32
          %dma_wait3A_196 = tpu.memref_slice %arg9[%dma_wait3A_194, %dma_wait3A_195] : memref<10240x128xf32, #tpu.memory_space<vmem_shared>> -> memref<10240x128xf32, #tpu.memory_space<vmem_shared>>
          tpu.wait_indirect_dma semaphore(%run_scoped3A_176 : memref<!tpu.dma_semaphore, #tpu.memory_space<semaphore_mem>>) src(%dma_wait3A_190 : memref<128x128xf32, #tpu.memory_space<vmem>>) dst(%dma_wait3A_196 : memref<10240x128xf32, #tpu.memory_space<vmem_shared>>)
          tpu.yield
        }) : () -> ()
        %add3A_160 = arith.constant 3 : i32
        %add3A_161 = arith.addi %mul3A_118, %add3A_160 : i32
        %min3A_162 = arith.constant 39 : i32
        %min3A_163 = arith.minsi %add3A_161, %min3A_162 : i32
        %dma_start3A_164 = arith.constant 1 : i32
        %dma_start3A_165 = arith.constant 0 : i32
        %dma_start3A_166 = arith.constant 0 : i32
        %dma_start3A_167 = tpu.memref_slice %run_scoped3A[%dma_start3A_164, %dma_start3A_165, %dma_start3A_166] : memref<2x128x128xf32, #tpu.memory_space<vmem>> -> memref<1x128x128xf32, #tpu.memory_space<vmem>>
        %dma_start3A_168 = tpu.memref_squeeze %dma_start3A_167 : memref<1x128x128xf32, #tpu.memory_space<vmem>> -> memref<128x128xf32, #tpu.memory_space<vmem>>
        %dma_start3A_169 = arith.constant 0 : i32
        %dma_start3A_170 = tpu.memref_slice %arg7[%min3A_163, %dma_start3A_169] : memref<40x128xi32, #tpu.memory_space<vmem>> -> memref<1x128xi32, #tpu.memory_space<vmem>>
        %dma_start3A_171 = tpu.memref_squeeze %dma_start3A_170 : memref<1x128xi32, #tpu.memory_space<vmem>> -> memref<128xi32, #tpu.memory_space<vmem>>
        %dma_start3A_172 = arith.constant 0 : i32
        %dma_start3A_173 = arith.constant 0 : i32
        %dma_start3A_174 = tpu.memref_slice %arg2[%dma_start3A_172, %dma_start3A_173] : memref<20000x128xf32, #tpu.memory_space<hbm>> -> memref<20000x128xf32, #tpu.memory_space<hbm>>
        tpu.enqueue_indirect_dma source(%dma_start3A_174 : memref<20000x128xf32, #tpu.memory_space<hbm>>) target(%dma_start3A_168 : memref<128x128xf32, #tpu.memory_space<vmem>>) offsets(%dma_start3A_171 : memref<128xi32, #tpu.memory_space<vmem>>) semaphore(%arg11 : memref<!tpu.dma_semaphore, #tpu.memory_space<semaphore_mem>>)
        %scan3A_175 = arith.constant 0 : i32
        scf.yield %scan3A_175 : i32
      }
      %scan3A_36 = arith.constant 20 : i32
      %dma_wait3A = arith.constant 38 : i32
      %dma_wait3A_37 = arith.constant 0 : i32
      %dma_wait3A_38 = arith.constant 0 : i32
      %dma_wait3A_39 = arith.constant 0 : i32
      %dma_wait3A_40 = tpu.memref_slice %run_scoped3A[%dma_wait3A_37, %dma_wait3A_38, %dma_wait3A_39] : memref<2x128x128xf32, #tpu.memory_space<vmem>> -> memref<1x128x128xf32, #tpu.memory_space<vmem>>
      %dma_wait3A_41 = tpu.memref_squeeze %dma_wait3A_40 : memref<1x128x128xf32, #tpu.memory_space<vmem>> -> memref<128x128xf32, #tpu.memory_space<vmem>>
      %dma_wait3A_42 = arith.constant 0 : i32
      %dma_wait3A_43 = tpu.memref_slice %arg7[%dma_wait3A, %dma_wait3A_42] : memref<40x128xi32, #tpu.memory_space<vmem>> -> memref<1x128xi32, #tpu.memory_space<vmem>>
      %dma_wait3A_44 = tpu.memref_squeeze %dma_wait3A_43 : memref<1x128xi32, #tpu.memory_space<vmem>> -> memref<128xi32, #tpu.memory_space<vmem>>
      %dma_wait3A_45 = arith.constant 0 : i32
      %dma_wait3A_46 = arith.constant 0 : i32
      %dma_wait3A_47 = tpu.memref_slice %arg2[%dma_wait3A_45, %dma_wait3A_46] : memref<20000x128xf32, #tpu.memory_space<hbm>> -> memref<20000x128xf32, #tpu.memory_space<hbm>>
      tpu.wait_indirect_dma semaphore(%arg10 : memref<!tpu.dma_semaphore, #tpu.memory_space<semaphore_mem>>) src(%dma_wait3A_47 : memref<20000x128xf32, #tpu.memory_space<hbm>>) dst(%dma_wait3A_41 : memref<128x128xf32, #tpu.memory_space<vmem>>)
      %dma_wait3A_48 = arith.constant 39 : i32
      %dma_wait3A_49 = arith.constant 1 : i32
      %dma_wait3A_50 = arith.constant 0 : i32
      %dma_wait3A_51 = arith.constant 0 : i32
      %dma_wait3A_52 = tpu.memref_slice %run_scoped3A[%dma_wait3A_49, %dma_wait3A_50, %dma_wait3A_51] : memref<2x128x128xf32, #tpu.memory_space<vmem>> -> memref<1x128x128xf32, #tpu.memory_space<vmem>>
      %dma_wait3A_53 = tpu.memref_squeeze %dma_wait3A_52 : memref<1x128x128xf32, #tpu.memory_space<vmem>> -> memref<128x128xf32, #tpu.memory_space<vmem>>
      %dma_wait3A_54 = arith.constant 0 : i32
      %dma_wait3A_55 = tpu.memref_slice %arg7[%dma_wait3A_48, %dma_wait3A_54] : memref<40x128xi32, #tpu.memory_space<vmem>> -> memref<1x128xi32, #tpu.memory_space<vmem>>
      %dma_wait3A_56 = tpu.memref_squeeze %dma_wait3A_55 : memref<1x128xi32, #tpu.memory_space<vmem>> -> memref<128xi32, #tpu.memory_space<vmem>>
      %dma_wait3A_57 = arith.constant 0 : i32
      %dma_wait3A_58 = arith.constant 0 : i32
      %dma_wait3A_59 = tpu.memref_slice %arg2[%dma_wait3A_57, %dma_wait3A_58] : memref<20000x128xf32, #tpu.memory_space<hbm>> -> memref<20000x128xf32, #tpu.memory_space<hbm>>
      tpu.wait_indirect_dma semaphore(%arg11 : memref<!tpu.dma_semaphore, #tpu.memory_space<semaphore_mem>>) src(%dma_wait3A_59 : memref<20000x128xf32, #tpu.memory_space<hbm>>) dst(%dma_wait3A_53 : memref<128x128xf32, #tpu.memory_space<vmem>>)
      "tpu.region"() ({
        %run_scoped3A_115 = tpu.sem_alloc : memref<!tpu.dma_semaphore, #tpu.memory_space<semaphore_mem>>
        %dma_start3A_116 = arith.constant 40 : i32
        %dma_start3A_117 = arith.constant 0 : i32
        %dma_start3A_118 = tpu.memref_slice %arg3[%arg0, %arg1, %dma_start3A_116, %dma_start3A_117] : memref<2x16x80x128xi32, #tpu.memory_space<hbm>> -> memref<1x1x40x128xi32, #tpu.memory_space<hbm>>
        %dma_start3A_119 = tpu.memref_squeeze %dma_start3A_118 : memref<1x1x40x128xi32, #tpu.memory_space<hbm>> -> memref<40x128xi32, #tpu.memory_space<hbm>>
        %dma_start3A_120 = arith.constant 40 : i32
        %dma_start3A_121 = arith.constant 0 : i32
        %dma_start3A_122 = tpu.memref_slice %arg3[%arg0, %arg1, %dma_start3A_120, %dma_start3A_121] : memref<2x16x80x128xi32, #tpu.memory_space<hbm>> -> memref<1x1x40x128xi32, #tpu.memory_space<hbm>>
        %dma_start3A_123 = tpu.memref_squeeze %dma_start3A_122 : memref<1x1x40x128xi32, #tpu.memory_space<hbm>> -> memref<40x128xi32, #tpu.memory_space<hbm>>
        tpu.enqueue_dma source(%dma_start3A_123 : memref<40x128xi32, #tpu.memory_space<hbm>>) target(%arg7 : memref<40x128xi32, #tpu.memory_space<vmem>>) target_semaphore(%run_scoped3A_115 : memref<!tpu.dma_semaphore, #tpu.memory_space<semaphore_mem>>)
        %dma_wait3A_124 = arith.constant 40 : i32
        %dma_wait3A_125 = arith.constant 0 : i32
        %dma_wait3A_126 = tpu.memref_slice %arg3[%arg0, %arg1, %dma_wait3A_124, %dma_wait3A_125] : memref<2x16x80x128xi32, #tpu.memory_space<hbm>> -> memref<1x1x40x128xi32, #tpu.memory_space<hbm>>
        %dma_wait3A_127 = tpu.memref_squeeze %dma_wait3A_126 : memref<1x1x40x128xi32, #tpu.memory_space<hbm>> -> memref<40x128xi32, #tpu.memory_space<hbm>>
        %dma_wait3A_128 = arith.constant 40 : i32
        %dma_wait3A_129 = arith.constant 0 : i32
        %dma_wait3A_130 = tpu.memref_slice %arg3[%arg0, %arg1, %dma_wait3A_128, %dma_wait3A_129] : memref<2x16x80x128xi32, #tpu.memory_space<hbm>> -> memref<1x1x40x128xi32, #tpu.memory_space<hbm>>
        %dma_wait3A_131 = tpu.memref_squeeze %dma_wait3A_130 : memref<1x1x40x128xi32, #tpu.memory_space<hbm>> -> memref<40x128xi32, #tpu.memory_space<hbm>>
        tpu.wait_dma2 semaphore(%run_scoped3A_115 : memref<!tpu.dma_semaphore, #tpu.memory_space<semaphore_mem>>) src(%dma_wait3A_131 : memref<40x128xi32, #tpu.memory_space<hbm>>) dst(%arg7 : memref<40x128xi32, #tpu.memory_space<vmem>>)
        tpu.yield
      }) : () -> ()
      "tpu.region"() ({
        %run_scoped3A_115 = tpu.sem_alloc : memref<!tpu.dma_semaphore, #tpu.memory_space<semaphore_mem>>
        %dma_start3A_116 = arith.constant 40 : i32
        %dma_start3A_117 = arith.constant 0 : i32
        %dma_start3A_118 = tpu.memref_slice %arg4[%arg1, %dma_start3A_116, %dma_start3A_117] : memref<16x80x128xi32, #tpu.memory_space<hbm>> -> memref<1x40x128xi32, #tpu.memory_space<hbm>>
        %dma_start3A_119 = tpu.memref_squeeze %dma_start3A_118 : memref<1x40x128xi32, #tpu.memory_space<hbm>> -> memref<40x128xi32, #tpu.memory_space<hbm>>
        %dma_start3A_120 = arith.constant 40 : i32
        %dma_start3A_121 = arith.constant 0 : i32
        %dma_start3A_122 = tpu.memref_slice %arg4[%arg1, %dma_start3A_120, %dma_start3A_121] : memref<16x80x128xi32, #tpu.memory_space<hbm>> -> memref<1x40x128xi32, #tpu.memory_space<hbm>>
        %dma_start3A_123 = tpu.memref_squeeze %dma_start3A_122 : memref<1x40x128xi32, #tpu.memory_space<hbm>> -> memref<40x128xi32, #tpu.memory_space<hbm>>
        tpu.enqueue_dma source(%dma_start3A_123 : memref<40x128xi32, #tpu.memory_space<hbm>>) target(%arg8 : memref<40x128xi32, #tpu.memory_space<vmem>>) target_semaphore(%run_scoped3A_115 : memref<!tpu.dma_semaphore, #tpu.memory_space<semaphore_mem>>)
        %dma_wait3A_124 = arith.constant 40 : i32
        %dma_wait3A_125 = arith.constant 0 : i32
        %dma_wait3A_126 = tpu.memref_slice %arg4[%arg1, %dma_wait3A_124, %dma_wait3A_125] : memref<16x80x128xi32, #tpu.memory_space<hbm>> -> memref<1x40x128xi32, #tpu.memory_space<hbm>>
        %dma_wait3A_127 = tpu.memref_squeeze %dma_wait3A_126 : memref<1x40x128xi32, #tpu.memory_space<hbm>> -> memref<40x128xi32, #tpu.memory_space<hbm>>
        %dma_wait3A_128 = arith.constant 40 : i32
        %dma_wait3A_129 = arith.constant 0 : i32
        %dma_wait3A_130 = tpu.memref_slice %arg4[%arg1, %dma_wait3A_128, %dma_wait3A_129] : memref<16x80x128xi32, #tpu.memory_space<hbm>> -> memref<1x40x128xi32, #tpu.memory_space<hbm>>
        %dma_wait3A_131 = tpu.memref_squeeze %dma_wait3A_130 : memref<1x40x128xi32, #tpu.memory_space<hbm>> -> memref<40x128xi32, #tpu.memory_space<hbm>>
        tpu.wait_dma2 semaphore(%run_scoped3A_115 : memref<!tpu.dma_semaphore, #tpu.memory_space<semaphore_mem>>) src(%dma_wait3A_131 : memref<40x128xi32, #tpu.memory_space<hbm>>) dst(%arg8 : memref<40x128xi32, #tpu.memory_space<vmem>>)
        tpu.yield
      }) : () -> ()
      %dma_start3A_60 = arith.constant 0 : i32
      %dma_start3A_61 = arith.constant 0 : i32
      %dma_start3A_62 = arith.constant 0 : i32
      %dma_start3A_63 = arith.constant 0 : i32
      %dma_start3A_64 = tpu.memref_slice %run_scoped3A[%dma_start3A_61, %dma_start3A_62, %dma_start3A_63] : memref<2x128x128xf32, #tpu.memory_space<vmem>> -> memref<1x128x128xf32, #tpu.memory_space<vmem>>
      %dma_start3A_65 = tpu.memref_squeeze %dma_start3A_64 : memref<1x128x128xf32, #tpu.memory_space<vmem>> -> memref<128x128xf32, #tpu.memory_space<vmem>>
      %dma_start3A_66 = arith.constant 0 : i32
      %dma_start3A_67 = tpu.memref_slice %arg7[%dma_start3A_60, %dma_start3A_66] : memref<40x128xi32, #tpu.memory_space<vmem>> -> memref<1x128xi32, #tpu.memory_space<vmem>>
      %dma_start3A_68 = tpu.memref_squeeze %dma_start3A_67 : memref<1x128xi32, #tpu.memory_space<vmem>> -> memref<128xi32, #tpu.memory_space<vmem>>
      %dma_start3A_69 = arith.constant 0 : i32
      %dma_start3A_70 = arith.constant 0 : i32
      %dma_start3A_71 = tpu.memref_slice %arg2[%dma_start3A_69, %dma_start3A_70] : memref<20000x128xf32, #tpu.memory_space<hbm>> -> memref<20000x128xf32, #tpu.memory_space<hbm>>
      tpu.enqueue_indirect_dma source(%dma_start3A_71 : memref<20000x128xf32, #tpu.memory_space<hbm>>) target(%dma_start3A_65 : memref<128x128xf32, #tpu.memory_space<vmem>>) offsets(%dma_start3A_68 : memref<128xi32, #tpu.memory_space<vmem>>) semaphore(%arg10 : memref<!tpu.dma_semaphore, #tpu.memory_space<semaphore_mem>>)
      %dma_start3A_72 = arith.constant 1 : i32
      %dma_start3A_73 = arith.constant 1 : i32
      %dma_start3A_74 = arith.constant 0 : i32
      %dma_start3A_75 = arith.constant 0 : i32
      %dma_start3A_76 = tpu.memref_slice %run_scoped3A[%dma_start3A_73, %dma_start3A_74, %dma_start3A_75] : memref<2x128x128xf32, #tpu.memory_space<vmem>> -> memref<1x128x128xf32, #tpu.memory_space<vmem>>
      %dma_start3A_77 = tpu.memref_squeeze %dma_start3A_76 : memref<1x128x128xf32, #tpu.memory_space<vmem>> -> memref<128x128xf32, #tpu.memory_space<vmem>>
      %dma_start3A_78 = arith.constant 0 : i32
      %dma_start3A_79 = tpu.memref_slice %arg7[%dma_start3A_72, %dma_start3A_78] : memref<40x128xi32, #tpu.memory_space<vmem>> -> memref<1x128xi32, #tpu.memory_space<vmem>>
      %dma_start3A_80 = tpu.memref_squeeze %dma_start3A_79 : memref<1x128xi32, #tpu.memory_space<vmem>> -> memref<128xi32, #tpu.memory_space<vmem>>
      %dma_start3A_81 = arith.constant 0 : i32
      %dma_start3A_82 = arith.constant 0 : i32
      %dma_start3A_83 = tpu.memref_slice %arg2[%dma_start3A_81, %dma_start3A_82] : memref<20000x128xf32, #tpu.memory_space<hbm>> -> memref<20000x128xf32, #tpu.memory_space<hbm>>
      tpu.enqueue_indirect_dma source(%dma_start3A_83 : memref<20000x128xf32, #tpu.memory_space<hbm>>) target(%dma_start3A_77 : memref<128x128xf32, #tpu.memory_space<vmem>>) offsets(%dma_start3A_80 : memref<128xi32, #tpu.memory_space<vmem>>) semaphore(%arg11 : memref<!tpu.dma_semaphore, #tpu.memory_space<semaphore_mem>>)
      %scan3A_84 = arith.constant 0 : i32
      %scan3A_85 = arith.constant 0 : i32
      %scan3A_86 = arith.constant 20 : i32
      %scan3A_87 = arith.addi %scan3A_85, %scan3A_86 : i32
      %scan3A_88 = arith.constant 1 : i32
      %scan3A_89 = scf.for %scan3A_115 = %scan3A_85 to %scan3A_87 step %scan3A_88 iter_args(%scan3A_116 = %scan3A_84) -> (i32)  : i32 {
        %mul3A_117 = arith.constant 2 : i32
        %mul3A_118 = arith.muli %mul3A_117, %scan3A_115 : i32
        %dma_wait3A_119 = arith.constant 0 : i32
        %dma_wait3A_120 = arith.constant 0 : i32
        %dma_wait3A_121 = arith.constant 0 : i32
        %dma_wait3A_122 = tpu.memref_slice %run_scoped3A[%dma_wait3A_119, %dma_wait3A_120, %dma_wait3A_121] : memref<2x128x128xf32, #tpu.memory_space<vmem>> -> memref<1x128x128xf32, #tpu.memory_space<vmem>>
        %dma_wait3A_123 = tpu.memref_squeeze %dma_wait3A_122 : memref<1x128x128xf32, #tpu.memory_space<vmem>> -> memref<128x128xf32, #tpu.memory_space<vmem>>
        %dma_wait3A_124 = arith.constant 0 : i32
        %dma_wait3A_125 = tpu.memref_slice %arg7[%mul3A_118, %dma_wait3A_124] : memref<40x128xi32, #tpu.memory_space<vmem>> -> memref<1x128xi32, #tpu.memory_space<vmem>>
        %dma_wait3A_126 = tpu.memref_squeeze %dma_wait3A_125 : memref<1x128xi32, #tpu.memory_space<vmem>> -> memref<128xi32, #tpu.memory_space<vmem>>
        %dma_wait3A_127 = arith.constant 0 : i32
        %dma_wait3A_128 = arith.constant 0 : i32
        %dma_wait3A_129 = tpu.memref_slice %arg2[%dma_wait3A_127, %dma_wait3A_128] : memref<20000x128xf32, #tpu.memory_space<hbm>> -> memref<20000x128xf32, #tpu.memory_space<hbm>>
        tpu.wait_indirect_dma semaphore(%arg10 : memref<!tpu.dma_semaphore, #tpu.memory_space<semaphore_mem>>) src(%dma_wait3A_129 : memref<20000x128xf32, #tpu.memory_space<hbm>>) dst(%dma_wait3A_123 : memref<128x128xf32, #tpu.memory_space<vmem>>)
        %run_scoped3A_130 = arith.constant 0 : i32
        "tpu.region"() ({
          %run_scoped3A_176 = tpu.sem_alloc : memref<!tpu.dma_semaphore, #tpu.memory_space<semaphore_mem>>
          %dma_start3A_177 = arith.constant 0 : i32
          %dma_start3A_178 = arith.constant 0 : i32
          %dma_start3A_179 = tpu.memref_slice %run_scoped3A[%run_scoped3A_130, %dma_start3A_177, %dma_start3A_178] : memref<2x128x128xf32, #tpu.memory_space<vmem>> -> memref<1x128x128xf32, #tpu.memory_space<vmem>>
          %dma_start3A_180 = tpu.memref_squeeze %dma_start3A_179 : memref<1x128x128xf32, #tpu.memory_space<vmem>> -> memref<128x128xf32, #tpu.memory_space<vmem>>
          %dma_start3A_181 = arith.constant 0 : i32
          %dma_start3A_182 = tpu.memref_slice %arg8[%mul3A_118, %dma_start3A_181] : memref<40x128xi32, #tpu.memory_space<vmem>> -> memref<1x128xi32, #tpu.memory_space<vmem>>
          %dma_start3A_183 = tpu.memref_squeeze %dma_start3A_182 : memref<1x128xi32, #tpu.memory_space<vmem>> -> memref<128xi32, #tpu.memory_space<vmem>>
          %dma_start3A_184 = arith.constant 0 : i32
          %dma_start3A_185 = arith.constant 0 : i32
          %dma_start3A_186 = tpu.memref_slice %arg9[%dma_start3A_184, %dma_start3A_185] : memref<10240x128xf32, #tpu.memory_space<vmem_shared>> -> memref<10240x128xf32, #tpu.memory_space<vmem_shared>>
          tpu.enqueue_indirect_dma source(%dma_start3A_180 : memref<128x128xf32, #tpu.memory_space<vmem>>) target(%dma_start3A_186 : memref<10240x128xf32, #tpu.memory_space<vmem_shared>>) offsets(%dma_start3A_183 : memref<128xi32, #tpu.memory_space<vmem>>) semaphore(%run_scoped3A_176 : memref<!tpu.dma_semaphore, #tpu.memory_space<semaphore_mem>>) {add = true}
          %dma_wait3A_187 = arith.constant 0 : i32
          %dma_wait3A_188 = arith.constant 0 : i32
          %dma_wait3A_189 = tpu.memref_slice %run_scoped3A[%run_scoped3A_130, %dma_wait3A_187, %dma_wait3A_188] : memref<2x128x128xf32, #tpu.memory_space<vmem>> -> memref<1x128x128xf32, #tpu.memory_space<vmem>>
          %dma_wait3A_190 = tpu.memref_squeeze %dma_wait3A_189 : memref<1x128x128xf32, #tpu.memory_space<vmem>> -> memref<128x128xf32, #tpu.memory_space<vmem>>
          %dma_wait3A_191 = arith.constant 0 : i32
          %dma_wait3A_192 = tpu.memref_slice %arg8[%mul3A_118, %dma_wait3A_191] : memref<40x128xi32, #tpu.memory_space<vmem>> -> memref<1x128xi32, #tpu.memory_space<vmem>>
          %dma_wait3A_193 = tpu.memref_squeeze %dma_wait3A_192 : memref<1x128xi32, #tpu.memory_space<vmem>> -> memref<128xi32, #tpu.memory_space<vmem>>
          %dma_wait3A_194 = arith.constant 0 : i32
          %dma_wait3A_195 = arith.constant 0 : i32
          %dma_wait3A_196 = tpu.memref_slice %arg9[%dma_wait3A_194, %dma_wait3A_195] : memref<10240x128xf32, #tpu.memory_space<vmem_shared>> -> memref<10240x128xf32, #tpu.memory_space<vmem_shared>>
          tpu.wait_indirect_dma semaphore(%run_scoped3A_176 : memref<!tpu.dma_semaphore, #tpu.memory_space<semaphore_mem>>) src(%dma_wait3A_190 : memref<128x128xf32, #tpu.memory_space<vmem>>) dst(%dma_wait3A_196 : memref<10240x128xf32, #tpu.memory_space<vmem_shared>>)
          tpu.yield
        }) : () -> ()
        %add3A = arith.constant 2 : i32
        %add3A_131 = arith.addi %mul3A_118, %add3A : i32
        %min3A = arith.constant 38 : i32
        %min3A_132 = arith.minsi %add3A_131, %min3A : i32
        %dma_start3A_133 = arith.constant 0 : i32
        %dma_start3A_134 = arith.constant 0 : i32
        %dma_start3A_135 = arith.constant 0 : i32
        %dma_start3A_136 = tpu.memref_slice %run_scoped3A[%dma_start3A_133, %dma_start3A_134, %dma_start3A_135] : memref<2x128x128xf32, #tpu.memory_space<vmem>> -> memref<1x128x128xf32, #tpu.memory_space<vmem>>
        %dma_start3A_137 = tpu.memref_squeeze %dma_start3A_136 : memref<1x128x128xf32, #tpu.memory_space<vmem>> -> memref<128x128xf32, #tpu.memory_space<vmem>>
        %dma_start3A_138 = arith.constant 0 : i32
        %dma_start3A_139 = tpu.memref_slice %arg7[%min3A_132, %dma_start3A_138] : memref<40x128xi32, #tpu.memory_space<vmem>> -> memref<1x128xi32, #tpu.memory_space<vmem>>
        %dma_start3A_140 = tpu.memref_squeeze %dma_start3A_139 : memref<1x128xi32, #tpu.memory_space<vmem>> -> memref<128xi32, #tpu.memory_space<vmem>>
        %dma_start3A_141 = arith.constant 0 : i32
        %dma_start3A_142 = arith.constant 0 : i32
        %dma_start3A_143 = tpu.memref_slice %arg2[%dma_start3A_141, %dma_start3A_142] : memref<20000x128xf32, #tpu.memory_space<hbm>> -> memref<20000x128xf32, #tpu.memory_space<hbm>>
        tpu.enqueue_indirect_dma source(%dma_start3A_143 : memref<20000x128xf32, #tpu.memory_space<hbm>>) target(%dma_start3A_137 : memref<128x128xf32, #tpu.memory_space<vmem>>) offsets(%dma_start3A_140 : memref<128xi32, #tpu.memory_space<vmem>>) semaphore(%arg10 : memref<!tpu.dma_semaphore, #tpu.memory_space<semaphore_mem>>)
        %add3A_144 = arith.constant 1 : i32
        %add3A_145 = arith.addi %mul3A_118, %add3A_144 : i32
        %dma_wait3A_146 = arith.constant 1 : i32
        %dma_wait3A_147 = arith.constant 0 : i32
        %dma_wait3A_148 = arith.constant 0 : i32
        %dma_wait3A_149 = tpu.memref_slice %run_scoped3A[%dma_wait3A_146, %dma_wait3A_147, %dma_wait3A_148] : memref<2x128x128xf32, #tpu.memory_space<vmem>> -> memref<1x128x128xf32, #tpu.memory_space<vmem>>
        %dma_wait3A_150 = tpu.memref_squeeze %dma_wait3A_149 : memref<1x128x128xf32, #tpu.memory_space<vmem>> -> memref<128x128xf32, #tpu.memory_space<vmem>>
        %dma_wait3A_151 = arith.constant 0 : i32
        %dma_wait3A_152 = tpu.memref_slice %arg7[%add3A_145, %dma_wait3A_151] : memref<40x128xi32, #tpu.memory_space<vmem>> -> memref<1x128xi32, #tpu.memory_space<vmem>>
        %dma_wait3A_153 = tpu.memref_squeeze %dma_wait3A_152 : memref<1x128xi32, #tpu.memory_space<vmem>> -> memref<128xi32, #tpu.memory_space<vmem>>
        %dma_wait3A_154 = arith.constant 0 : i32
        %dma_wait3A_155 = arith.constant 0 : i32
        %dma_wait3A_156 = tpu.memref_slice %arg2[%dma_wait3A_154, %dma_wait3A_155] : memref<20000x128xf32, #tpu.memory_space<hbm>> -> memref<20000x128xf32, #tpu.memory_space<hbm>>
        tpu.wait_indirect_dma semaphore(%arg11 : memref<!tpu.dma_semaphore, #tpu.memory_space<semaphore_mem>>) src(%dma_wait3A_156 : memref<20000x128xf32, #tpu.memory_space<hbm>>) dst(%dma_wait3A_150 : memref<128x128xf32, #tpu.memory_space<vmem>>)
        %add3A_157 = arith.constant 1 : i32
        %add3A_158 = arith.addi %mul3A_118, %add3A_157 : i32
        %run_scoped3A_159 = arith.constant 1 : i32
        "tpu.region"() ({
          %run_scoped3A_176 = tpu.sem_alloc : memref<!tpu.dma_semaphore, #tpu.memory_space<semaphore_mem>>
          %dma_start3A_177 = arith.constant 0 : i32
          %dma_start3A_178 = arith.constant 0 : i32
          %dma_start3A_179 = tpu.memref_slice %run_scoped3A[%run_scoped3A_159, %dma_start3A_177, %dma_start3A_178] : memref<2x128x128xf32, #tpu.memory_space<vmem>> -> memref<1x128x128xf32, #tpu.memory_space<vmem>>
          %dma_start3A_180 = tpu.memref_squeeze %dma_start3A_179 : memref<1x128x128xf32, #tpu.memory_space<vmem>> -> memref<128x128xf32, #tpu.memory_space<vmem>>
          %dma_start3A_181 = arith.constant 0 : i32
          %dma_start3A_182 = tpu.memref_slice %arg8[%add3A_158, %dma_start3A_181] : memref<40x128xi32, #tpu.memory_space<vmem>> -> memref<1x128xi32, #tpu.memory_space<vmem>>
          %dma_start3A_183 = tpu.memref_squeeze %dma_start3A_182 : memref<1x128xi32, #tpu.memory_space<vmem>> -> memref<128xi32, #tpu.memory_space<vmem>>
          %dma_start3A_184 = arith.constant 0 : i32
          %dma_start3A_185 = arith.constant 0 : i32
          %dma_start3A_186 = tpu.memref_slice %arg9[%dma_start3A_184, %dma_start3A_185] : memref<10240x128xf32, #tpu.memory_space<vmem_shared>> -> memref<10240x128xf32, #tpu.memory_space<vmem_shared>>
          tpu.enqueue_indirect_dma source(%dma_start3A_180 : memref<128x128xf32, #tpu.memory_space<vmem>>) target(%dma_start3A_186 : memref<10240x128xf32, #tpu.memory_space<vmem_shared>>) offsets(%dma_start3A_183 : memref<128xi32, #tpu.memory_space<vmem>>) semaphore(%run_scoped3A_176 : memref<!tpu.dma_semaphore, #tpu.memory_space<semaphore_mem>>) {add = true}
          %dma_wait3A_187 = arith.constant 0 : i32
          %dma_wait3A_188 = arith.constant 0 : i32
          %dma_wait3A_189 = tpu.memref_slice %run_scoped3A[%run_scoped3A_159, %dma_wait3A_187, %dma_wait3A_188] : memref<2x128x128xf32, #tpu.memory_space<vmem>> -> memref<1x128x128xf32, #tpu.memory_space<vmem>>
          %dma_wait3A_190 = tpu.memref_squeeze %dma_wait3A_189 : memref<1x128x128xf32, #tpu.memory_space<vmem>> -> memref<128x128xf32, #tpu.memory_space<vmem>>
          %dma_wait3A_191 = arith.constant 0 : i32
          %dma_wait3A_192 = tpu.memref_slice %arg8[%add3A_158, %dma_wait3A_191] : memref<40x128xi32, #tpu.memory_space<vmem>> -> memref<1x128xi32, #tpu.memory_space<vmem>>
          %dma_wait3A_193 = tpu.memref_squeeze %dma_wait3A_192 : memref<1x128xi32, #tpu.memory_space<vmem>> -> memref<128xi32, #tpu.memory_space<vmem>>
          %dma_wait3A_194 = arith.constant 0 : i32
          %dma_wait3A_195 = arith.constant 0 : i32
          %dma_wait3A_196 = tpu.memref_slice %arg9[%dma_wait3A_194, %dma_wait3A_195] : memref<10240x128xf32, #tpu.memory_space<vmem_shared>> -> memref<10240x128xf32, #tpu.memory_space<vmem_shared>>
          tpu.wait_indirect_dma semaphore(%run_scoped3A_176 : memref<!tpu.dma_semaphore, #tpu.memory_space<semaphore_mem>>) src(%dma_wait3A_190 : memref<128x128xf32, #tpu.memory_space<vmem>>) dst(%dma_wait3A_196 : memref<10240x128xf32, #tpu.memory_space<vmem_shared>>)
          tpu.yield
        }) : () -> ()
        %add3A_160 = arith.constant 3 : i32
        %add3A_161 = arith.addi %mul3A_118, %add3A_160 : i32
        %min3A_162 = arith.constant 39 : i32
        %min3A_163 = arith.minsi %add3A_161, %min3A_162 : i32
        %dma_start3A_164 = arith.constant 1 : i32
        %dma_start3A_165 = arith.constant 0 : i32
        %dma_start3A_166 = arith.constant 0 : i32
        %dma_start3A_167 = tpu.memref_slice %run_scoped3A[%dma_start3A_164, %dma_start3A_165, %dma_start3A_166] : memref<2x128x128xf32, #tpu.memory_space<vmem>> -> memref<1x128x128xf32, #tpu.memory_space<vmem>>
        %dma_start3A_168 = tpu.memref_squeeze %dma_start3A_167 : memref<1x128x128xf32, #tpu.memory_space<vmem>> -> memref<128x128xf32, #tpu.memory_space<vmem>>
        %dma_start3A_169 = arith.constant 0 : i32
        %dma_start3A_170 = tpu.memref_slice %arg7[%min3A_163, %dma_start3A_169] : memref<40x128xi32, #tpu.memory_space<vmem>> -> memref<1x128xi32, #tpu.memory_space<vmem>>
        %dma_start3A_171 = tpu.memref_squeeze %dma_start3A_170 : memref<1x128xi32, #tpu.memory_space<vmem>> -> memref<128xi32, #tpu.memory_space<vmem>>
        %dma_start3A_172 = arith.constant 0 : i32
        %dma_start3A_173 = arith.constant 0 : i32
        %dma_start3A_174 = tpu.memref_slice %arg2[%dma_start3A_172, %dma_start3A_173] : memref<20000x128xf32, #tpu.memory_space<hbm>> -> memref<20000x128xf32, #tpu.memory_space<hbm>>
        tpu.enqueue_indirect_dma source(%dma_start3A_174 : memref<20000x128xf32, #tpu.memory_space<hbm>>) target(%dma_start3A_168 : memref<128x128xf32, #tpu.memory_space<vmem>>) offsets(%dma_start3A_171 : memref<128xi32, #tpu.memory_space<vmem>>) semaphore(%arg11 : memref<!tpu.dma_semaphore, #tpu.memory_space<semaphore_mem>>)
        %scan3A_175 = arith.constant 0 : i32
        scf.yield %scan3A_175 : i32
      }
      %scan3A_90 = arith.constant 20 : i32
      %dma_wait3A_91 = arith.constant 38 : i32
      %dma_wait3A_92 = arith.constant 0 : i32
      %dma_wait3A_93 = arith.constant 0 : i32
      %dma_wait3A_94 = arith.constant 0 : i32
      %dma_wait3A_95 = tpu.memref_slice %run_scoped3A[%dma_wait3A_92, %dma_wait3A_93, %dma_wait3A_94] : memref<2x128x128xf32, #tpu.memory_space<vmem>> -> memref<1x128x128xf32, #tpu.memory_space<vmem>>
      %dma_wait3A_96 = tpu.memref_squeeze %dma_wait3A_95 : memref<1x128x128xf32, #tpu.memory_space<vmem>> -> memref<128x128xf32, #tpu.memory_space<vmem>>
      %dma_wait3A_97 = arith.constant 0 : i32
      %dma_wait3A_98 = tpu.memref_slice %arg7[%dma_wait3A_91, %dma_wait3A_97] : memref<40x128xi32, #tpu.memory_space<vmem>> -> memref<1x128xi32, #tpu.memory_space<vmem>>
      %dma_wait3A_99 = tpu.memref_squeeze %dma_wait3A_98 : memref<1x128xi32, #tpu.memory_space<vmem>> -> memref<128xi32, #tpu.memory_space<vmem>>
      %dma_wait3A_100 = arith.constant 0 : i32
      %dma_wait3A_101 = arith.constant 0 : i32
      %dma_wait3A_102 = tpu.memref_slice %arg2[%dma_wait3A_100, %dma_wait3A_101] : memref<20000x128xf32, #tpu.memory_space<hbm>> -> memref<20000x128xf32, #tpu.memory_space<hbm>>
      tpu.wait_indirect_dma semaphore(%arg10 : memref<!tpu.dma_semaphore, #tpu.memory_space<semaphore_mem>>) src(%dma_wait3A_102 : memref<20000x128xf32, #tpu.memory_space<hbm>>) dst(%dma_wait3A_96 : memref<128x128xf32, #tpu.memory_space<vmem>>)
      %dma_wait3A_103 = arith.constant 39 : i32
      %dma_wait3A_104 = arith.constant 1 : i32
      %dma_wait3A_105 = arith.constant 0 : i32
      %dma_wait3A_106 = arith.constant 0 : i32
      %dma_wait3A_107 = tpu.memref_slice %run_scoped3A[%dma_wait3A_104, %dma_wait3A_105, %dma_wait3A_106] : memref<2x128x128xf32, #tpu.memory_space<vmem>> -> memref<1x128x128xf32, #tpu.memory_space<vmem>>
      %dma_wait3A_108 = tpu.memref_squeeze %dma_wait3A_107 : memref<1x128x128xf32, #tpu.memory_space<vmem>> -> memref<128x128xf32, #tpu.memory_space<vmem>>
      %dma_wait3A_109 = arith.constant 0 : i32
      %dma_wait3A_110 = tpu.memref_slice %arg7[%dma_wait3A_103, %dma_wait3A_109] : memref<40x128xi32, #tpu.memory_space<vmem>> -> memref<1x128xi32, #tpu.memory_space<vmem>>
      %dma_wait3A_111 = tpu.memref_squeeze %dma_wait3A_110 : memref<1x128xi32, #tpu.memory_space<vmem>> -> memref<128xi32, #tpu.memory_space<vmem>>
      %dma_wait3A_112 = arith.constant 0 : i32
      %dma_wait3A_113 = arith.constant 0 : i32
      %dma_wait3A_114 = tpu.memref_slice %arg2[%dma_wait3A_112, %dma_wait3A_113] : memref<20000x128xf32, #tpu.memory_space<hbm>> -> memref<20000x128xf32, #tpu.memory_space<hbm>>
      tpu.wait_indirect_dma semaphore(%arg11 : memref<!tpu.dma_semaphore, #tpu.memory_space<semaphore_mem>>) src(%dma_wait3A_114 : memref<20000x128xf32, #tpu.memory_space<hbm>>) dst(%dma_wait3A_108 : memref<128x128xf32, #tpu.memory_space<vmem>>)
      tpu.yield
    }) : () -> ()
    %barrier3A_3 = arith.constant 0 : index
    tpu.barrier barrier_id(%barrier3A_3)
    %mul3A_4 = arith.constant 640 : i32
    %mul3A_5 = arith.muli %arg1, %mul3A_4 : i32
    %mul3A_6 = arith.constant 640 : i32
    %mul3A_7 = arith.muli %arg1, %mul3A_6 : i32
    "tpu.region"() ({
      %run_scoped3A = tpu.sem_alloc : memref<!tpu.dma_semaphore, #tpu.memory_space<semaphore_mem>>
      %dma_start3A = arith.constant 0 : i32
      %dma_start3A_8 = tpu.memref_slice %arg6[%arg0, %mul3A_7, %dma_start3A] : memref<2x10240x128xf32, #tpu.memory_space<hbm>> -> memref<1x640x128xf32, #tpu.memory_space<hbm>>
      %dma_start3A_9 = tpu.memref_squeeze %dma_start3A_8 : memref<1x640x128xf32, #tpu.memory_space<hbm>> -> memref<640x128xf32, #tpu.memory_space<hbm>>
      %dma_start3A_10 = arith.constant 0 : i32
      %dma_start3A_11 = tpu.memref_slice %arg9[%mul3A_5, %dma_start3A_10] : memref<10240x128xf32, #tpu.memory_space<vmem_shared>> -> memref<640x128xf32, #tpu.memory_space<vmem_shared>>
      tpu.enqueue_dma source(%dma_start3A_11 : memref<640x128xf32, #tpu.memory_space<vmem_shared>>) target(%dma_start3A_9 : memref<640x128xf32, #tpu.memory_space<hbm>>) target_semaphore(%run_scoped3A : memref<!tpu.dma_semaphore, #tpu.memory_space<semaphore_mem>>)
      %dma_wait3A = arith.constant 0 : i32
      %dma_wait3A_12 = tpu.memref_slice %arg6[%arg0, %mul3A_7, %dma_wait3A] : memref<2x10240x128xf32, #tpu.memory_space<hbm>> -> memref<1x640x128xf32, #tpu.memory_space<hbm>>
      %dma_wait3A_13 = tpu.memref_squeeze %dma_wait3A_12 : memref<1x640x128xf32, #tpu.memory_space<hbm>> -> memref<640x128xf32, #tpu.memory_space<hbm>>
      %dma_wait3A_14 = arith.constant 0 : i32
      %dma_wait3A_15 = tpu.memref_slice %arg9[%mul3A_5, %dma_wait3A_14] : memref<10240x128xf32, #tpu.memory_space<vmem_shared>> -> memref<640x128xf32, #tpu.memory_space<vmem_shared>>
      tpu.wait_dma2 semaphore(%run_scoped3A : memref<!tpu.dma_semaphore, #tpu.memory_space<semaphore_mem>>) src(%dma_wait3A_15 : memref<640x128xf32, #tpu.memory_space<vmem_shared>>) dst(%dma_wait3A_13 : memref<640x128xf32, #tpu.memory_space<hbm>>)
      tpu.yield
    }) : () -> ()
    return
  }
}

module attributes {stable_mosaic.version = 14 : i64} {
  func.func @k1_body(%arg0: i32, %arg1: memref<1000x256xf32, #tpu.memory_space<vmem>>, %arg2: memref<256x256xf32, #tpu.memory_space<vmem>>, %arg3: memref<2x1000x128xf32, #tpu.memory_space<vmem>>, %arg4: memref<2x1000x128xf32, #tpu.memory_space<vmem>>) attributes {dimension_semantics = [#tpu.dimension_semantics<arbitrary>], iteration_bounds = array<i64: 10>, scalar_prefetch = 0 : i64, scratch_operands = 0 : i64, tpu.core_type = #tpu.core_type<tc>, window_params = [{transform_indices = @transform_0, window_bounds = array<i64: 1000, 256>}, {pipeline_mode = #tpu.pipeline_mode<synchronous>, transform_indices = @transform_1, window_bounds = array<i64: 256, 256>}, {transform_indices = @transform_2, window_bounds = array<i64: 2, 1000, 128>}, {transform_indices = @transform_3, window_bounds = array<i64: 2, 1000, 128>}]} {
    %get3A = arith.constant 0 : index
    %get3A_0 = arith.constant 0 : index
    %get3A_1 = vector.load %arg1[%get3A, %get3A_0] : memref<1000x256xf32, #tpu.memory_space<vmem>>, vector<1000x256xf32>
    %get3A_2 = arith.constant 0 : index
    %get3A_3 = arith.constant 0 : index
    %get3A_4 = vector.load %arg2[%get3A_2, %get3A_3] : memref<256x256xf32, #tpu.memory_space<vmem>>, vector<256x256xf32>
    %dot_general3A = arith.constant dense<0.000000e+00> : vector<1000x256xf32>
    %dot_general3A_5 = tpu.matmul %get3A_1, %get3A_4, %dot_general3A {dimension_numbers = #tpu.dot_dimension_numbers<[1], [0], [0], [1], [0, 0, 1, 1], [], []>, transpose_lhs_hint = false} : vector<1000x256xf32>, vector<256x256xf32>, vector<1000x256xf32> -> vector<1000x256xf32>
    %get3A_6 = arith.constant 0 : index
    %get3A_7 = arith.constant 0 : index
    %get3A_8 = arith.constant 0 : index
    %get3A_9 = vector.load %arg3[%get3A_6, %get3A_7, %get3A_8] : memref<2x1000x128xf32, #tpu.memory_space<vmem>>, vector<1x1000x1xf32>
    %get3A_10 = vector.shape_cast %get3A_9 : vector<1x1000x1xf32> to vector<1000xf32>
    %get3A_11 = arith.constant 1 : index
    %get3A_12 = arith.constant 0 : index
    %get3A_13 = arith.constant 0 : index
    %get3A_14 = vector.load %arg3[%get3A_11, %get3A_12, %get3A_13] : memref<2x1000x128xf32, #tpu.memory_space<vmem>>, vector<1x1000x1xf32>
    %get3A_15 = vector.shape_cast %get3A_14 : vector<1x1000x1xf32> to vector<1000xf32>
    %add3A = arith.addf %get3A_10, %get3A_15 : vector<1000xf32>
    %add3A_16 = arith.constant 1.000000e+00 : f32
    %add3A_17 = vector.broadcast %add3A_16 : f32 to vector<1000xf32>
    %add3A_18 = arith.addf %add3A, %add3A_17 : vector<1000xf32>
    %rsqrt3A = math.rsqrt %add3A_18 : vector<1000xf32>
    %broadcast_in_dim3A = vector.shape_cast %rsqrt3A : vector<1000xf32> to vector<1000x1xf32>
    %slice3A = vector.extract_strided_slice %dot_general3A_5 {offsets = [0, 0], sizes = [1000, 128], strides = [1, 1]} : vector<1000x256xf32> to vector<1000x128xf32>
    %mul3A = vector.broadcast %broadcast_in_dim3A : vector<1000x1xf32> to vector<1000x128xf32>
    %mul3A_19 = arith.mulf %slice3A, %mul3A : vector<1000x128xf32>
    %swap3A = arith.constant 0 : index
    %swap3A_20 = arith.constant 0 : index
    %swap3A_21 = arith.constant 0 : index
    %swap3A_22 = vector.load %arg4[%swap3A, %swap3A_20, %swap3A_21] : memref<2x1000x128xf32, #tpu.memory_space<vmem>>, vector<1x1000x128xf32>
    %swap3A_23 = vector.shape_cast %swap3A_22 : vector<1x1000x128xf32> to vector<1000x128xf32>
    %swap3A_24 = vector.shape_cast %mul3A_19 : vector<1000x128xf32> to vector<1x1000x128xf32>
    tpu.vector_store %arg4[%swap3A, %swap3A_20, %swap3A_21], %swap3A_24 {strides = array<i32>} : memref<2x1000x128xf32, #tpu.memory_space<vmem>>, vector<1x1000x128xf32>,
    %slice3A_25 = vector.extract_strided_slice %dot_general3A_5 {offsets = [0, 128], sizes = [1000, 128], strides = [1, 1]} : vector<1000x256xf32> to vector<1000x128xf32>
    %mul3A_26 = vector.broadcast %broadcast_in_dim3A : vector<1000x1xf32> to vector<1000x128xf32>
    %mul3A_27 = arith.mulf %slice3A_25, %mul3A_26 : vector<1000x128xf32>
    %swap3A_28 = arith.constant 1 : index
    %swap3A_29 = arith.constant 0 : index
    %swap3A_30 = arith.constant 0 : index
    %swap3A_31 = vector.load %arg4[%swap3A_28, %swap3A_29, %swap3A_30] : memref<2x1000x128xf32, #tpu.memory_space<vmem>>, vector<1x1000x128xf32>
    %swap3A_32 = vector.shape_cast %swap3A_31 : vector<1x1000x128xf32> to vector<1000x128xf32>
    %swap3A_33 = vector.shape_cast %mul3A_27 : vector<1000x128xf32> to vector<1x1000x128xf32>
    tpu.vector_store %arg4[%swap3A_28, %swap3A_29, %swap3A_30], %swap3A_33 {strides = array<i32>} : memref<2x1000x128xf32, #tpu.memory_space<vmem>>, vector<1x1000x128xf32>,
    return
  }
  func.func @transform_0(%arg0: i32) -> (i32, i32) {
    %c0_i32 = arith.constant 0 : i32
    %c0_i32_0 = arith.constant 0 : i32
    return %arg0, %c0_i32 : i32, i32
  }
  func.func @transform_1(%arg0: i32) -> (i32, i32) {
    %c0_i32 = arith.constant 0 : i32
    %c0_i32_0 = arith.constant 0 : i32
    %c0_i32_1 = arith.constant 0 : i32
    return %c0_i32, %c0_i32_0 : i32, i32
  }
  func.func @transform_2(%arg0: i32) -> (i32, i32, i32) {
    %c0_i32 = arith.constant 0 : i32
    %c0_i32_0 = arith.constant 0 : i32
    %c0_i32_1 = arith.constant 0 : i32
    return %c0_i32, %arg0, %c0_i32_0 : i32, i32, i32
  }
  func.func @transform_3(%arg0: i32) -> (i32, i32, i32) {
    %c0_i32 = arith.constant 0 : i32
    %c0_i32_0 = arith.constant 0 : i32
    %c0_i32_1 = arith.constant 0 : i32
    return %c0_i32, %arg0, %c0_i32_0 : i32, i32, i32
  }
}

module attributes {stable_mosaic.version = 14 : i64} {
  func.func @k2_body(%arg0: i32, %arg1: memref<2x1000x128xf32, #tpu.memory_space<vmem>>, %arg2: memref<2x1000x128xf32, #tpu.memory_space<vmem>>, %arg3: memref<2x1000x128xf32, #tpu.memory_space<vmem>>, %arg4: memref<2x128xf32, #tpu.memory_space<vmem>>, %arg5: memref<2x1000x128xf32, #tpu.memory_space<vmem>>, %arg6: memref<1x2x128xf32, #tpu.memory_space<vmem>>, %arg7: memref<1x2x128xf32, #tpu.memory_space<vmem>>) attributes {dimension_semantics = [#tpu.dimension_semantics<arbitrary>], iteration_bounds = array<i64: 10>, scalar_prefetch = 0 : i64, scratch_operands = 0 : i64, tpu.core_type = #tpu.core_type<tc>, window_params = [{transform_indices = @transform_0, window_bounds = array<i64: 2, 1000, 128>}, {transform_indices = @transform_1, window_bounds = array<i64: 2, 1000, 128>}, {transform_indices = @transform_2, window_bounds = array<i64: 2, 1000, 128>}, {pipeline_mode = #tpu.pipeline_mode<synchronous>, transform_indices = @transform_3, window_bounds = array<i64: 2, 128>}, {transform_indices = @transform_4, window_bounds = array<i64: 2, 1000, 128>}, {transform_indices = @transform_5, window_bounds = array<i64: 1, 2, 128>}, {transform_indices = @transform_6, window_bounds = array<i64: 1, 2, 128>}]} {
    %get3A = arith.constant 0 : index
    %get3A_0 = arith.constant 0 : index
    %get3A_1 = arith.constant 0 : index
    %get3A_2 = vector.load %arg3[%get3A, %get3A_0, %get3A_1] : memref<2x1000x128xf32, #tpu.memory_space<vmem>>, vector<1x1000x1xf32>
    %get3A_3 = vector.shape_cast %get3A_2 : vector<1x1000x1xf32> to vector<1000xf32>
    %get3A_4 = arith.constant 1 : index
    %get3A_5 = arith.constant 0 : index
    %get3A_6 = arith.constant 0 : index
    %get3A_7 = vector.load %arg3[%get3A_4, %get3A_5, %get3A_6] : memref<2x1000x128xf32, #tpu.memory_space<vmem>>, vector<1x1000x1xf32>
    %get3A_8 = vector.shape_cast %get3A_7 : vector<1x1000x1xf32> to vector<1000xf32>
    %add3A = arith.addf %get3A_3, %get3A_8 : vector<1000xf32>
    %add3A_9 = arith.constant 1.000000e+00 : f32
    %add3A_10 = vector.broadcast %add3A_9 : f32 to vector<1000xf32>
    %add3A_11 = arith.addf %add3A, %add3A_10 : vector<1000xf32>
    %rsqrt3A = math.rsqrt %add3A_11 : vector<1000xf32>
    %broadcast_in_dim3A = vector.shape_cast %rsqrt3A : vector<1000xf32> to vector<1000x1xf32>
    %get3A_12 = arith.constant 0 : index
    %get3A_13 = arith.constant 0 : index
    %get3A_14 = arith.constant 0 : index
    %get3A_15 = vector.load %arg1[%get3A_12, %get3A_13, %get3A_14] : memref<2x1000x128xf32, #tpu.memory_space<vmem>>, vector<1x1000x128xf32>
    %get3A_16 = vector.shape_cast %get3A_15 : vector<1x1000x128xf32> to vector<1000x128xf32>
    %get3A_17 = arith.constant 0 : index
    %get3A_18 = arith.constant 0 : index
    %get3A_19 = arith.constant 0 : index
    %get3A_20 = vector.load %arg2[%get3A_17, %get3A_18, %get3A_19] : memref<2x1000x128xf32, #tpu.memory_space<vmem>>, vector<1x1000x128xf32>
    %get3A_21 = vector.shape_cast %get3A_20 : vector<1x1000x128xf32> to vector<1000x128xf32>
    %add3A_22 = arith.addf %get3A_16, %get3A_21 : vector<1000x128xf32>
    %mul3A = vector.broadcast %broadcast_in_dim3A : vector<1000x1xf32> to vector<1000x128xf32>
    %mul3A_23 = arith.mulf %add3A_22, %mul3A : vector<1000x128xf32>
    %get3A_24 = arith.constant 0 : index
    %get3A_25 = arith.constant 0 : index
    %get3A_26 = vector.load %arg4[%get3A_24, %get3A_25] : memref<2x128xf32, #tpu.memory_space<vmem>>, vector<1x128xf32>
    %get3A_27 = vector.shape_cast %get3A_26 : vector<1x128xf32> to vector<128xf32>
    %broadcast_in_dim3A_28 = vector.shape_cast %get3A_27 : vector<128xf32> to vector<1x128xf32>
    %add3A_29 = vector.broadcast %broadcast_in_dim3A_28 : vector<1x128xf32> to vector<1000x128xf32>
    %add3A_30 = arith.addf %mul3A_23, %add3A_29 : vector<1000x128xf32>
    %get3A_31 = arith.constant 1 : index
    %get3A_32 = arith.constant 0 : index
    %get3A_33 = arith.constant 0 : index
    %get3A_34 = vector.load %arg1[%get3A_31, %get3A_32, %get3A_33] : memref<2x1000x128xf32, #tpu.memory_space<vmem>>, vector<1x1000x128xf32>
    %get3A_35 = vector.shape_cast %get3A_34 : vector<1x1000x128xf32> to vector<1000x128xf32>
    %get3A_36 = arith.constant 1 : index
    %get3A_37 = arith.constant 0 : index
    %get3A_38 = arith.constant 0 : index
    %get3A_39 = vector.load %arg2[%get3A_36, %get3A_37, %get3A_38] : memref<2x1000x128xf32, #tpu.memory_space<vmem>>, vector<1x1000x128xf32>
    %get3A_40 = vector.shape_cast %get3A_39 : vector<1x1000x128xf32> to vector<1000x128xf32>
    %add3A_41 = arith.addf %get3A_35, %get3A_40 : vector<1000x128xf32>
    %mul3A_42 = vector.broadcast %broadcast_in_dim3A : vector<1000x1xf32> to vector<1000x128xf32>
    %mul3A_43 = arith.mulf %add3A_41, %mul3A_42 : vector<1000x128xf32>
    %get3A_44 = arith.constant 1 : index
    %get3A_45 = arith.constant 0 : index
    %get3A_46 = vector.load %arg4[%get3A_44, %get3A_45] : memref<2x128xf32, #tpu.memory_space<vmem>>, vector<1x128xf32>
    %get3A_47 = vector.shape_cast %get3A_46 : vector<1x128xf32> to vector<128xf32>
    %broadcast_in_dim3A_48 = vector.shape_cast %get3A_47 : vector<128xf32> to vector<1x128xf32>
    %add3A_49 = vector.broadcast %broadcast_in_dim3A_48 : vector<1x128xf32> to vector<1000x128xf32>
    %add3A_50 = arith.addf %mul3A_43, %add3A_49 : vector<1000x128xf32>
    %swap3A = arith.constant 0 : index
    %swap3A_51 = arith.constant 0 : index
    %swap3A_52 = arith.constant 0 : index
    %swap3A_53 = vector.load %arg5[%swap3A, %swap3A_51, %swap3A_52] : memref<2x1000x128xf32, #tpu.memory_space<vmem>>, vector<1x1000x128xf32>
    %swap3A_54 = vector.shape_cast %swap3A_53 : vector<1x1000x128xf32> to vector<1000x128xf32>
    %swap3A_55 = vector.shape_cast %add3A_30 : vector<1000x128xf32> to vector<1x1000x128xf32>
    tpu.vector_store %arg5[%swap3A, %swap3A_51, %swap3A_52], %swap3A_55 {strides = array<i32>} : memref<2x1000x128xf32, #tpu.memory_space<vmem>>, vector<1x1000x128xf32>,
    %swap3A_56 = arith.constant 1 : index
    %swap3A_57 = arith.constant 0 : index
    %swap3A_58 = arith.constant 0 : index
    %swap3A_59 = vector.load %arg5[%swap3A_56, %swap3A_57, %swap3A_58] : memref<2x1000x128xf32, #tpu.memory_space<vmem>>, vector<1x1000x128xf32>
    %swap3A_60 = vector.shape_cast %swap3A_59 : vector<1x1000x128xf32> to vector<1000x128xf32>
    %swap3A_61 = vector.shape_cast %add3A_50 : vector<1000x128xf32> to vector<1x1000x128xf32>
    tpu.vector_store %arg5[%swap3A_56, %swap3A_57, %swap3A_58], %swap3A_61 {strides = array<i32>} : memref<2x1000x128xf32, #tpu.memory_space<vmem>>, vector<1x1000x128xf32>,
    %reduce_sum3A = arith.constant dense<0.000000e+00> : vector<128xf32>
    %reduce_sum3A_62 = vector.multi_reduction <add>, %add3A_30, %reduce_sum3A [0] : vector<1000x128xf32> to vector<128xf32>
    %reduce_sum3A_63 = arith.constant dense<0.000000e+00> : vector<128xf32>
    %reduce_sum3A_64 = vector.multi_reduction <add>, %add3A_50, %reduce_sum3A_63 [0] : vector<1000x128xf32> to vector<128xf32>
    %stack3A = vector.shape_cast %reduce_sum3A_62 : vector<128xf32> to vector<1x128xf32>
    %stack3A_65 = vector.shape_cast %reduce_sum3A_64 : vector<128xf32> to vector<1x128xf32>
    %stack3A_66 = tpu.concatenate %stack3A, %stack3A_65 in 0 : vector<1x128xf32>, vector<1x128xf32> -> vector<2x128xf32>
    %broadcast_in_dim3A_67 = vector.shape_cast %stack3A_66 : vector<2x128xf32> to vector<1x2x128xf32>
    %swap3A_68 = arith.constant 0 : index
    %swap3A_69 = arith.constant 0 : index
    %swap3A_70 = arith.constant 0 : index
    %swap3A_71 = vector.load %arg6[%swap3A_68, %swap3A_69, %swap3A_70] : memref<1x2x128xf32, #tpu.memory_space<vmem>>, vector<1x2x128xf32>
    tpu.vector_store %arg6[%swap3A_68, %swap3A_69, %swap3A_70], %broadcast_in_dim3A_67 {strides = array<i32>} : memref<1x2x128xf32, #tpu.memory_space<vmem>>, vector<1x2x128xf32>,
    %mul3A_72 = arith.mulf %add3A_30, %add3A_30 : vector<1000x128xf32>
    %reduce_sum3A_73 = arith.constant dense<0.000000e+00> : vector<128xf32>
    %reduce_sum3A_74 = vector.multi_reduction <add>, %mul3A_72, %reduce_sum3A_73 [0] : vector<1000x128xf32> to vector<128xf32>
    %mul3A_75 = arith.mulf %add3A_50, %add3A_50 : vector<1000x128xf32>
    %reduce_sum3A_76 = arith.constant dense<0.000000e+00> : vector<128xf32>
    %reduce_sum3A_77 = vector.multi_reduction <add>, %mul3A_75, %reduce_sum3A_76 [0] : vector<1000x128xf32> to vector<128xf32>
    %stack3A_78 = vector.shape_cast %reduce_sum3A_74 : vector<128xf32> to vector<1x128xf32>
    %stack3A_79 = vector.shape_cast %reduce_sum3A_77 : vector<128xf32> to vector<1x128xf32>
    %stack3A_80 = tpu.concatenate %stack3A_78, %stack3A_79 in 0 : vector<1x128xf32>, vector<1x128xf32> -> vector<2x128xf32>
    %broadcast_in_dim3A_81 = vector.shape_cast %stack3A_80 : vector<2x128xf32> to vector<1x2x128xf32>
    %swap3A_82 = arith.constant 0 : index
    %swap3A_83 = arith.constant 0 : index
    %swap3A_84 = arith.constant 0 : index
    %swap3A_85 = vector.load %arg7[%swap3A_82, %swap3A_83, %swap3A_84] : memref<1x2x128xf32, #tpu.memory_space<vmem>>, vector<1x2x128xf32>
    tpu.vector_store %arg7[%swap3A_82, %swap3A_83, %swap3A_84], %broadcast_in_dim3A_81 {strides = array<i32>} : memref<1x2x128xf32, #tpu.memory_space<vmem>>, vector<1x2x128xf32>,
    return
  }
  func.func @transform_0(%arg0: i32) -> (i32, i32, i32) {
    %c0_i32 = arith.constant 0 : i32
    %c0_i32_0 = arith.constant 0 : i32
    %c0_i32_1 = arith.constant 0 : i32
    return %c0_i32, %arg0, %c0_i32_0 : i32, i32, i32
  }
  func.func @transform_1(%arg0: i32) -> (i32, i32, i32) {
    %c0_i32 = arith.constant 0 : i32
    %c0_i32_0 = arith.constant 0 : i32
    %c0_i32_1 = arith.constant 0 : i32
    return %c0_i32, %arg0, %c0_i32_0 : i32, i32, i32
  }
  func.func @transform_2(%arg0: i32) -> (i32, i32, i32) {
    %c0_i32 = arith.constant 0 : i32
    %c0_i32_0 = arith.constant 0 : i32
    %c0_i32_1 = arith.constant 0 : i32
    return %c0_i32, %arg0, %c0_i32_0 : i32, i32, i32
  }
  func.func @transform_3(%arg0: i32) -> (i32, i32) {
    %c0_i32 = arith.constant 0 : i32
    %c0_i32_0 = arith.constant 0 : i32
    %c0_i32_1 = arith.constant 0 : i32
    return %c0_i32, %c0_i32_0 : i32, i32
  }
  func.func @transform_4(%arg0: i32) -> (i32, i32, i32) {
    %c0_i32 = arith.constant 0 : i32
    %c0_i32_0 = arith.constant 0 : i32
    %c0_i32_1 = arith.constant 0 : i32
    return %c0_i32, %arg0, %c0_i32_0 : i32, i32, i32
  }
  func.func @transform_5(%arg0: i32) -> (i32, i32, i32) {
    %c0_i32 = arith.constant 0 : i32
    %c0_i32_0 = arith.constant 0 : i32
    %c0_i32_1 = arith.constant 0 : i32
    return %arg0, %c0_i32, %c0_i32_0 : i32, i32, i32
  }
  func.func @transform_6(%arg0: i32) -> (i32, i32, i32) {
    %c0_i32 = arith.constant 0 : i32
    %c0_i32_0 = arith.constant 0 : i32
    %c0_i32_1 = arith.constant 0 : i32
    return %arg0, %c0_i32, %c0_i32_0 : i32, i32, i32
  }
}

module attributes {stable_mosaic.version = 14 : i64} {
  func.func @k3_body(%arg0: i32, %arg1: memref<2x1000x128xf32, #tpu.memory_space<vmem>>, %arg2: memref<10x2x128xf32, #tpu.memory_space<vmem>>, %arg3: memref<10x2x128xf32, #tpu.memory_space<vmem>>, %arg4: memref<2x128xf32, #tpu.memory_space<vmem>>, %arg5: memref<2x128xf32, #tpu.memory_space<vmem>>, %arg6: memref<2x128x40xf32, #tpu.memory_space<vmem>>, %arg7: memref<2x1000x128xf32, #tpu.memory_space<vmem>>, %arg8: memref<1000x40xf32, #tpu.memory_space<vmem>>) attributes {dimension_semantics = [#tpu.dimension_semantics<arbitrary>], iteration_bounds = array<i64: 10>, scalar_prefetch = 0 : i64, scratch_operands = 0 : i64, tpu.core_type = #tpu.core_type<tc>, window_params = [{transform_indices = @transform_0, window_bounds = array<i64: 2, 1000, 128>}, {pipeline_mode = #tpu.pipeline_mode<synchronous>, transform_indices = @transform_1, window_bounds = array<i64: 10, 2, 128>}, {pipeline_mode = #tpu.pipeline_mode<synchronous>, transform_indices = @transform_2, window_bounds = array<i64: 10, 2, 128>}, {pipeline_mode = #tpu.pipeline_mode<synchronous>, transform_indices = @transform_3, window_bounds = array<i64: 2, 128>}, {pipeline_mode = #tpu.pipeline_mode<synchronous>, transform_indices = @transform_4, window_bounds = array<i64: 2, 128>}, {pipeline_mode = #tpu.pipeline_mode<synchronous>, transform_indices = @transform_5, window_bounds = array<i64: 2, 128, 40>}, {transform_indices = @transform_6, window_bounds = array<i64: 2, 1000, 128>}, {transform_indices = @transform_7, window_bounds = array<i64: 1000, 40>}]} {
    %get3A = arith.constant 0 : index
    %get3A_0 = arith.constant 0 : index
    %get3A_1 = arith.constant 0 : index
    %get3A_2 = vector.load %arg2[%get3A, %get3A_0, %get3A_1] : memref<10x2x128xf32, #tpu.memory_space<vmem>>, vector<10x2x128xf32>
    %reduce_sum3A = arith.constant dense<0.000000e+00> : vector<2x128xf32>
    %reduce_sum3A_3 = vector.multi_reduction <add>, %get3A_2, %reduce_sum3A [0] : vector<10x2x128xf32> to vector<2x128xf32>
    %mul3A = arith.constant 9.99999974E-5 : f32
    %mul3A_4 = vector.broadcast %mul3A : f32 to vector<2x128xf32>
    %mul3A_5 = arith.mulf %reduce_sum3A_3, %mul3A_4 : vector<2x128xf32>
    %get3A_6 = arith.constant 0 : index
    %get3A_7 = arith.constant 0 : index
    %get3A_8 = arith.constant 0 : index
    %get3A_9 = vector.load %arg3[%get3A_6, %get3A_7, %get3A_8] : memref<10x2x128xf32, #tpu.memory_space<vmem>>, vector<10x2x128xf32>
    %reduce_sum3A_10 = arith.constant dense<0.000000e+00> : vector<2x128xf32>
    %reduce_sum3A_11 = vector.multi_reduction <add>, %get3A_9, %reduce_sum3A_10 [0] : vector<10x2x128xf32> to vector<2x128xf32>
    %mul3A_12 = arith.constant 9.99999974E-5 : f32
    %mul3A_13 = vector.broadcast %mul3A_12 : f32 to vector<2x128xf32>
    %mul3A_14 = arith.mulf %reduce_sum3A_11, %mul3A_13 : vector<2x128xf32>
    %mul3A_15 = arith.mulf %mul3A_5, %mul3A_5 : vector<2x128xf32>
    %sub3A = arith.subf %mul3A_14, %mul3A_15 : vector<2x128xf32>
    %add3A = arith.constant 9.99999974E-6 : f32
    %add3A_16 = vector.broadcast %add3A : f32 to vector<2x128xf32>
    %add3A_17 = arith.addf %sub3A, %add3A_16 : vector<2x128xf32>
    %rsqrt3A = math.rsqrt %add3A_17 : vector<2x128xf32>
    %get3A_18 = arith.constant 0 : index
    %get3A_19 = arith.constant 0 : index
    %get3A_20 = arith.constant 0 : index
    %get3A_21 = vector.load %arg1[%get3A_18, %get3A_19, %get3A_20] : memref<2x1000x128xf32, #tpu.memory_space<vmem>>, vector<1x1000x128xf32>
    %get3A_22 = vector.shape_cast %get3A_21 : vector<1x1000x128xf32> to vector<1000x128xf32>
    %slice3A = vector.extract_strided_slice %mul3A_5 {offsets = [0, 0], sizes = [1, 128], strides = [1, 1]} : vector<2x128xf32> to vector<1x128xf32>
    %squeeze3A = vector.shape_cast %slice3A : vector<1x128xf32> to vector<128xf32>
    %broadcast_in_dim3A = vector.shape_cast %squeeze3A : vector<128xf32> to vector<1x128xf32>
    %sub3A_23 = vector.broadcast %broadcast_in_dim3A : vector<1x128xf32> to vector<1000x128xf32>
    %sub3A_24 = arith.subf %get3A_22, %sub3A_23 : vector<1000x128xf32>
    %slice3A_25 = vector.extract_strided_slice %rsqrt3A {offsets = [0, 0], sizes = [1, 128], strides = [1, 1]} : vector<2x128xf32> to vector<1x128xf32>
    %squeeze3A_26 = vector.shape_cast %slice3A_25 : vector<1x128xf32> to vector<128xf32>
    %get3A_27 = arith.constant 0 : index
    %get3A_28 = arith.constant 0 : index
    %get3A_29 = vector.load %arg4[%get3A_27, %get3A_28] : memref<2x128xf32, #tpu.memory_space<vmem>>, vector<1x128xf32>
    %get3A_30 = vector.shape_cast %get3A_29 : vector<1x128xf32> to vector<128xf32>
    %mul3A_31 = arith.mulf %squeeze3A_26, %get3A_30 : vector<128xf32>
    %broadcast_in_dim3A_32 = vector.shape_cast %mul3A_31 : vector<128xf32> to vector<1x128xf32>
    %mul3A_33 = vector.broadcast %broadcast_in_dim3A_32 : vector<1x128xf32> to vector<1000x128xf32>
    %mul3A_34 = arith.mulf %sub3A_24, %mul3A_33 : vector<1000x128xf32>
    %get3A_35 = arith.constant 0 : index
    %get3A_36 = arith.constant 0 : index
    %get3A_37 = vector.load %arg5[%get3A_35, %get3A_36] : memref<2x128xf32, #tpu.memory_space<vmem>>, vector<1x128xf32>
    %get3A_38 = vector.shape_cast %get3A_37 : vector<1x128xf32> to vector<128xf32>
    %broadcast_in_dim3A_39 = vector.shape_cast %get3A_38 : vector<128xf32> to vector<1x128xf32>
    %add3A_40 = vector.broadcast %broadcast_in_dim3A_39 : vector<1x128xf32> to vector<1000x128xf32>
    %add3A_41 = arith.addf %mul3A_34, %add3A_40 : vector<1000x128xf32>
    %max3A = arith.constant 0.000000e+00 : f32
    %max3A_42 = vector.broadcast %max3A : f32 to vector<1000x128xf32>
    %max3A_43 = arith.maximumf %add3A_41, %max3A_42 : vector<1000x128xf32>
    %get3A_44 = arith.constant 1 : index
    %get3A_45 = arith.constant 0 : index
    %get3A_46 = arith.constant 0 : index
    %get3A_47 = vector.load %arg1[%get3A_44, %get3A_45, %get3A_46] : memref<2x1000x128xf32, #tpu.memory_space<vmem>>, vector<1x1000x128xf32>
    %get3A_48 = vector.shape_cast %get3A_47 : vector<1x1000x128xf32> to vector<1000x128xf32>
    %slice3A_49 = vector.extract_strided_slice %mul3A_5 {offsets = [1, 0], sizes = [1, 128], strides = [1, 1]} : vector<2x128xf32> to vector<1x128xf32>
    %squeeze3A_50 = vector.shape_cast %slice3A_49 : vector<1x128xf32> to vector<128xf32>
    %broadcast_in_dim3A_51 = vector.shape_cast %squeeze3A_50 : vector<128xf32> to vector<1x128xf32>
    %sub3A_52 = vector.broadcast %broadcast_in_dim3A_51 : vector<1x128xf32> to vector<1000x128xf32>
    %sub3A_53 = arith.subf %get3A_48, %sub3A_52 : vector<1000x128xf32>
    %slice3A_54 = vector.extract_strided_slice %rsqrt3A {offsets = [1, 0], sizes = [1, 128], strides = [1, 1]} : vector<2x128xf32> to vector<1x128xf32>
    %squeeze3A_55 = vector.shape_cast %slice3A_54 : vector<1x128xf32> to vector<128xf32>
    %get3A_56 = arith.constant 1 : index
    %get3A_57 = arith.constant 0 : index
    %get3A_58 = vector.load %arg4[%get3A_56, %get3A_57] : memref<2x128xf32, #tpu.memory_space<vmem>>, vector<1x128xf32>
    %get3A_59 = vector.shape_cast %get3A_58 : vector<1x128xf32> to vector<128xf32>
    %mul3A_60 = arith.mulf %squeeze3A_55, %get3A_59 : vector<128xf32>
    %broadcast_in_dim3A_61 = vector.shape_cast %mul3A_60 : vector<128xf32> to vector<1x128xf32>
    %mul3A_62 = vector.broadcast %broadcast_in_dim3A_61 : vector<1x128xf32> to vector<1000x128xf32>
    %mul3A_63 = arith.mulf %sub3A_53, %mul3A_62 : vector<1000x128xf32>
    %get3A_64 = arith.constant 1 : index
    %get3A_65 = arith.constant 0 : index
    %get3A_66 = vector.load %arg5[%get3A_64, %get3A_65] : memref<2x128xf32, #tpu.memory_space<vmem>>, vector<1x128xf32>
    %get3A_67 = vector.shape_cast %get3A_66 : vector<1x128xf32> to vector<128xf32>
    %broadcast_in_dim3A_68 = vector.shape_cast %get3A_67 : vector<128xf32> to vector<1x128xf32>
    %add3A_69 = vector.broadcast %broadcast_in_dim3A_68 : vector<1x128xf32> to vector<1000x128xf32>
    %add3A_70 = arith.addf %mul3A_63, %add3A_69 : vector<1000x128xf32>
    %max3A_71 = arith.constant 0.000000e+00 : f32
    %max3A_72 = vector.broadcast %max3A_71 : f32 to vector<1000x128xf32>
    %max3A_73 = arith.maximumf %add3A_70, %max3A_72 : vector<1000x128xf32>
    %get3A_74 = arith.constant 0 : index
    %get3A_75 = arith.constant 0 : index
    %get3A_76 = arith.constant 0 : index
    %get3A_77 = vector.load %arg6[%get3A_74, %get3A_75, %get3A_76] : memref<2x128x40xf32, #tpu.memory_space<vmem>>, vector<1x128x40xf32>
    %get3A_78 = vector.shape_cast %get3A_77 : vector<1x128x40xf32> to vector<128x40xf32>
    %dot_general3A = arith.constant dense<0.000000e+00> : vector<1000x40xf32>
    %dot_general3A_79 = tpu.matmul %max3A_43, %get3A_78, %dot_general3A {dimension_numbers = #tpu.dot_dimension_numbers<[1], [0], [0], [1], [0, 0, 1, 1], [], []>, transpose_lhs_hint = false} : vector<1000x128xf32>, vector<128x40xf32>, vector<1000x40xf32> -> vector<1000x40xf32>
    %get3A_80 = arith.constant 1 : index
    %get3A_81 = arith.constant 0 : index
    %get3A_82 = arith.constant 0 : index
    %get3A_83 = vector.load %arg6[%get3A_80, %get3A_81, %get3A_82] : memref<2x128x40xf32, #tpu.memory_space<vmem>>, vector<1x128x40xf32>
    %get3A_84 = vector.shape_cast %get3A_83 : vector<1x128x40xf32> to vector<128x40xf32>
    %dot_general3A_85 = arith.constant dense<0.000000e+00> : vector<1000x40xf32>
    %dot_general3A_86 = tpu.matmul %max3A_73, %get3A_84, %dot_general3A_85 {dimension_numbers = #tpu.dot_dimension_numbers<[1], [0], [0], [1], [0, 0, 1, 1], [], []>, transpose_lhs_hint = false} : vector<1000x128xf32>, vector<128x40xf32>, vector<1000x40xf32> -> vector<1000x40xf32>
    %add3A_87 = arith.addf %dot_general3A_79, %dot_general3A_86 : vector<1000x40xf32>
    %get3A_88 = arith.constant 0 : index
    %get3A_89 = arith.constant 0 : index
    %get3A_90 = arith.constant 0 : index
    %get3A_91 = vector.load %arg7[%get3A_88, %get3A_89, %get3A_90] : memref<2x1000x128xf32, #tpu.memory_space<vmem>>, vector<1x1000x1xf32>
    %get3A_92 = vector.shape_cast %get3A_91 : vector<1x1000x1xf32> to vector<1000xf32>
    %get3A_93 = arith.constant 1 : index
    %get3A_94 = arith.constant 0 : index
    %get3A_95 = arith.constant 0 : index
    %get3A_96 = vector.load %arg7[%get3A_93, %get3A_94, %get3A_95] : memref<2x1000x128xf32, #tpu.memory_space<vmem>>, vector<1x1000x1xf32>
    %get3A_97 = vector.shape_cast %get3A_96 : vector<1x1000x1xf32> to vector<1000xf32>
    %add3A_98 = arith.addf %get3A_92, %get3A_97 : vector<1000xf32>
    %add3A_99 = arith.constant 1.000000e+00 : f32
    %add3A_100 = vector.broadcast %add3A_99 : f32 to vector<1000xf32>
    %add3A_101 = arith.addf %add3A_98, %add3A_100 : vector<1000xf32>
    %rsqrt3A_102 = math.rsqrt %add3A_101 : vector<1000xf32>
    %broadcast_in_dim3A_103 = vector.shape_cast %rsqrt3A_102 : vector<1000xf32> to vector<1000x1xf32>
    %mul3A_104 = vector.broadcast %broadcast_in_dim3A_103 : vector<1000x1xf32> to vector<1000x40xf32>
    %mul3A_105 = arith.mulf %add3A_87, %mul3A_104 : vector<1000x40xf32>
    %swap3A = arith.constant 0 : index
    %swap3A_106 = arith.constant 0 : index
    %swap3A_107 = vector.load %arg8[%swap3A, %swap3A_106] : memref<1000x40xf32, #tpu.memory_space<vmem>>, vector<1000x40xf32>
    tpu.vector_store %arg8[%swap3A, %swap3A_106], %mul3A_105 {strides = array<i32>} : memref<1000x40xf32, #tpu.memory_space<vmem>>, vector<1000x40xf32>,
    return
  }
  func.func @transform_0(%arg0: i32) -> (i32, i32, i32) {
    %c0_i32 = arith.constant 0 : i32
    %c0_i32_0 = arith.constant 0 : i32
    %c0_i32_1 = arith.constant 0 : i32
    return %c0_i32, %arg0, %c0_i32_0 : i32, i32, i32
  }
  func.func @transform_1(%arg0: i32) -> (i32, i32, i32) {
    %c0_i32 = arith.constant 0 : i32
    %c0_i32_0 = arith.constant 0 : i32
    %c0_i32_1 = arith.constant 0 : i32
    %c0_i32_2 = arith.constant 0 : i32
    return %c0_i32, %c0_i32_0, %c0_i32_1 : i32, i32, i32
  }
  func.func @transform_2(%arg0: i32) -> (i32, i32, i32) {
    %c0_i32 = arith.constant 0 : i32
    %c0_i32_0 = arith.constant 0 : i32
    %c0_i32_1 = arith.constant 0 : i32
    %c0_i32_2 = arith.constant 0 : i32
    return %c0_i32, %c0_i32_0, %c0_i32_1 : i32, i32, i32
  }
  func.func @transform_3(%arg0: i32) -> (i32, i32) {
    %c0_i32 = arith.constant 0 : i32
    %c0_i32_0 = arith.constant 0 : i32
    %c0_i32_1 = arith.constant 0 : i32
    return %c0_i32, %c0_i32_0 : i32, i32
  }
  func.func @transform_4(%arg0: i32) -> (i32, i32) {
    %c0_i32 = arith.constant 0 : i32
    %c0_i32_0 = arith.constant 0 : i32
    %c0_i32_1 = arith.constant 0 : i32
    return %c0_i32, %c0_i32_0 : i32, i32
  }
  func.func @transform_5(%arg0: i32) -> (i32, i32, i32) {
    %c0_i32 = arith.constant 0 : i32
    %c0_i32_0 = arith.constant 0 : i32
    %c0_i32_1 = arith.constant 0 : i32
    %c0_i32_2 = arith.constant 0 : i32
    return %c0_i32, %c0_i32_0, %c0_i32_1 : i32, i32, i32
  }
  func.func @transform_6(%arg0: i32) -> (i32, i32, i32) {
    %c0_i32 = arith.constant 0 : i32
    %c0_i32_0 = arith.constant 0 : i32
    %c0_i32_1 = arith.constant 0 : i32
    return %c0_i32, %arg0, %c0_i32_0 : i32, i32, i32
  }
  func.func @transform_7(%arg0: i32) -> (i32, i32) {
    %c0_i32 = arith.constant 0 : i32
    %c0_i32_0 = arith.constant 0 : i32
    return %arg0, %c0_i32 : i32, i32
  }
}

module attributes {stable_mosaic.version = 14 : i64} {
  func.func @k4_body(%arg0: i32, %arg1: memref<2x1000x40xf32, #tpu.memory_space<vmem>>, %arg2: memref<1000x40xf32, #tpu.memory_space<vmem>>, %arg3: memref<2x1000x128xf32, #tpu.memory_space<vmem>>, %arg4: memref<1x40xf32, #tpu.memory_space<vmem>>, %arg5: memref<1000x40xf32, #tpu.memory_space<vmem>>) attributes {dimension_semantics = [#tpu.dimension_semantics<arbitrary>], iteration_bounds = array<i64: 10>, scalar_prefetch = 0 : i64, scratch_operands = 0 : i64, tpu.core_type = #tpu.core_type<tc>, window_params = [{transform_indices = @transform_0, window_bounds = array<i64: 2, 1000, 40>}, {transform_indices = @transform_1, window_bounds = array<i64: 1000, 40>}, {transform_indices = @transform_2, window_bounds = array<i64: 2, 1000, 128>}, {pipeline_mode = #tpu.pipeline_mode<synchronous>, transform_indices = @transform_3, window_bounds = array<i64: 1, 40>}, {transform_indices = @transform_4, window_bounds = array<i64: 1000, 40>}]} {
    %get3A = arith.constant 0 : index
    %get3A_0 = arith.constant 0 : index
    %get3A_1 = arith.constant 0 : index
    %get3A_2 = vector.load %arg3[%get3A, %get3A_0, %get3A_1] : memref<2x1000x128xf32, #tpu.memory_space<vmem>>, vector<1x1000x1xf32>
    %get3A_3 = vector.shape_cast %get3A_2 : vector<1x1000x1xf32> to vector<1000xf32>
    %get3A_4 = arith.constant 1 : index
    %get3A_5 = arith.constant 0 : index
    %get3A_6 = arith.constant 0 : index
    %get3A_7 = vector.load %arg3[%get3A_4, %get3A_5, %get3A_6] : memref<2x1000x128xf32, #tpu.memory_space<vmem>>, vector<1x1000x1xf32>
    %get3A_8 = vector.shape_cast %get3A_7 : vector<1x1000x1xf32> to vector<1000xf32>
    %add3A = arith.addf %get3A_3, %get3A_8 : vector<1000xf32>
    %add3A_9 = arith.constant 1.000000e+00 : f32
    %add3A_10 = vector.broadcast %add3A_9 : f32 to vector<1000xf32>
    %add3A_11 = arith.addf %add3A, %add3A_10 : vector<1000xf32>
    %rsqrt3A = math.rsqrt %add3A_11 : vector<1000xf32>
    %broadcast_in_dim3A = vector.shape_cast %rsqrt3A : vector<1000xf32> to vector<1000x1xf32>
    %get3A_12 = arith.constant 0 : index
    %get3A_13 = arith.constant 0 : index
    %get3A_14 = arith.constant 0 : index
    %get3A_15 = vector.load %arg1[%get3A_12, %get3A_13, %get3A_14] : memref<2x1000x40xf32, #tpu.memory_space<vmem>>, vector<1x1000x40xf32>
    %get3A_16 = vector.shape_cast %get3A_15 : vector<1x1000x40xf32> to vector<1000x40xf32>
    %get3A_17 = arith.constant 1 : index
    %get3A_18 = arith.constant 0 : index
    %get3A_19 = arith.constant 0 : index
    %get3A_20 = vector.load %arg1[%get3A_17, %get3A_18, %get3A_19] : memref<2x1000x40xf32, #tpu.memory_space<vmem>>, vector<1x1000x40xf32>
    %get3A_21 = vector.shape_cast %get3A_20 : vector<1x1000x40xf32> to vector<1000x40xf32>
    %add3A_22 = arith.addf %get3A_16, %get3A_21 : vector<1000x40xf32>
    %get3A_23 = arith.constant 0 : index
    %get3A_24 = arith.constant 0 : index
    %get3A_25 = vector.load %arg2[%get3A_23, %get3A_24] : memref<1000x40xf32, #tpu.memory_space<vmem>>, vector<1000x40xf32>
    %add3A_26 = arith.addf %add3A_22, %get3A_25 : vector<1000x40xf32>
    %mul3A = vector.broadcast %broadcast_in_dim3A : vector<1000x1xf32> to vector<1000x40xf32>
    %mul3A_27 = arith.mulf %add3A_26, %mul3A : vector<1000x40xf32>
    %get3A_28 = arith.constant 0 : index
    %get3A_29 = arith.constant 0 : index
    %get3A_30 = vector.load %arg4[%get3A_28, %get3A_29] : memref<1x40xf32, #tpu.memory_space<vmem>>, vector<1x40xf32>
    %get3A_31 = vector.shape_cast %get3A_30 : vector<1x40xf32> to vector<40xf32>
    %broadcast_in_dim3A_32 = vector.shape_cast %get3A_31 : vector<40xf32> to vector<1x40xf32>
    %add3A_33 = vector.broadcast %broadcast_in_dim3A_32 : vector<1x40xf32> to vector<1000x40xf32>
    %add3A_34 = arith.addf %mul3A_27, %add3A_33 : vector<1000x40xf32>
    %swap3A = arith.constant 0 : index
    %swap3A_35 = arith.constant 0 : index
    %swap3A_36 = vector.load %arg5[%swap3A, %swap3A_35] : memref<1000x40xf32, #tpu.memory_space<vmem>>, vector<1000x40xf32>
    tpu.vector_store %arg5[%swap3A, %swap3A_35], %add3A_34 {strides = array<i32>} : memref<1000x40xf32, #tpu.memory_space<vmem>>, vector<1000x40xf32>,
    return
  }
  func.func @transform_0(%arg0: i32) -> (i32, i32, i32) {
    %c0_i32 = arith.constant 0 : i32
    %c0_i32_0 = arith.constant 0 : i32
    %c0_i32_1 = arith.constant 0 : i32
    return %c0_i32, %arg0, %c0_i32_0 : i32, i32, i32
  }
  func.func @transform_1(%arg0: i32) -> (i32, i32) {
    %c0_i32 = arith.constant 0 : i32
    %c0_i32_0 = arith.constant 0 : i32
    return %arg0, %c0_i32 : i32, i32
  }
  func.func @transform_2(%arg0: i32) -> (i32, i32, i32) {
    %c0_i32 = arith.constant 0 : i32
    %c0_i32_0 = arith.constant 0 : i32
    %c0_i32_1 = arith.constant 0 : i32
    return %c0_i32, %arg0, %c0_i32_0 : i32, i32, i32
  }
  func.func @transform_3(%arg0: i32) -> (i32, i32) {
    %c0_i32 = arith.constant 0 : i32
    %c0_i32_0 = arith.constant 0 : i32
    %c0_i32_1 = arith.constant 0 : i32
    return %c0_i32, %c0_i32_0 : i32, i32
  }
  func.func @transform_4(%arg0: i32) -> (i32, i32) {
    %c0_i32 = arith.constant 0 : i32
    %c0_i32_0 = arith.constant 0 : i32
    return %arg0, %c0_i32 : i32, i32
  }
}

</mosaic_0001>

<sc_bundles>
// kernel: kernel.12.cloned.1.call-start
scs
__scs_entry_jumppad:
0x0: {  	(pc) =	sbr.rel $0x88, $3  }
0x1: {  	(tag) =	ssettag $0x0;
	lr =	simm.s32 $0x1  }
0x2: {  	[smem:$0x3F99] =	sst lr;
	_ =	strace $0xD0000000  }
0x3: {  	_ = 	snop  }
0x4: {  	_ = 	snop  }
0x5: {  	_ = 	snop  }
0x6: {  	_ = 	snop  }
0x7: {  	_ = 	snop  }
__scs_overlays_trampoline_lowered:
0x8: {  	[smem:$0x3FA8] =	sst s0  }
0x9: {  	[smem:$0x3FA9] =	sst s1  }
0xa: {  	[smem:$0x3FAA] =	sst s2  }
0xb: {  	[smem:$0x3FAB] =	sst s3  }
0xc: {  	[smem:$0x3FAC] =	sst s4  }
0xd: {  	[smem:$0x3FAD] =	sst s5  }
0xe: {  	[smem:$0x3FAE] =	sst s6  }
0xf: {  	[smem:$0x3FAF] =	sst s7  }
0x10: {  	[smem:$0x3FB0] =	sst s8  }
0x11: {  	[smem:$0x3FB1] =	sst s9;
	s0 =	simm.s32 @!p0 $0x0  }
0x12: {  	s1 =	sld [smem:$0x3F97];
	s0 =	simm.s32 @p0 $0x1  }
0x13: {  	[smem:$0x3FB2] =	sst s0;
	s0 =	simm.s32 @!p1 $0x0  }
0x14: {  	s2 =	sld [smem:$0x3F96];
	s0 =	simm.s32 @p1 $0x1  }
0x15: {  	[smem:$0x3FB3] =	sst s0;
	s0 =	simm.s32 @!p2 $0x0  }
0x16: {  	s3 =	sld [smem:$0x3FDB];
	s0 =	simm.s32 @p2 $0x1  }
0x17: {  	s4 =	simm.s32 $0x1BF5;
	[smem:$0x3FB5] =	sst s0  }
0x18: {  	s0 =	sld [smem:$0x3F98];
	_ =	swait.ge [sflag:s4], $0x0  }
0x19: {  	s7 =	sld [smem:$0x3F99]  }
0x1a: {  	s8 =	sadd.s32 $0xFFFFE003, lr  }
0x1b: {  	s9 =	sadd.s32 $0xFFFFFEF7, lr;
	s5 =	simm.s32 $0xFFFFFFFF;
	p2 =	slt.u32 s8, $0xFFFFF086  }
0x1c: {  	p1 =	slt.u32 s9, $0xF7A;
	s5 =	simm.s32 @!p2 $0x0  }
0x1d: {  	s5 =	simm.s32 @p1 $0x1;
	p0 =	seq.s32 s7, s2  }
0x1e: {  	s7 =	smul.u32 @!p0 $0xF7A, s2;
	p2 =	seq.s32 @!p0 s5, $0x0  }
0x1f: {  	s9 =	smul.u32 $0xF7A, s1;
	s8 =	simm.s32 @!p0 $0x1BF5;
	p2 =	por !p2, p0  }
0x20: {  	[sflag:s8] =	ssyncset.s32 @!p0 $0xFFFFF086;
	s6 =	sadd.s32 @!p0 s3, s7;
	s7 =	simm.s32 @!p0 $0x108  }
0x21: {  	s3 =	sadd.s32 s3, s9;
	s6 =	sadd.s32 @!p0 $0x88, s6;
	s7 =	simm.s32 @p2 $0x1082  }
0x22: {  	[simem:s7], [sflag:s8] =	dma.local @!p0 [hbm:s6], $0xF7A  }
0x23: {  	s9 =	sor.u32 $0xD0000000, s2;
	s6 =	simm.s32 $0x108;
	_ =	swait.ge @!p0 [sflag:s8], $0x0  }
0x24: {  	s3 =	sadd.s32 $0x88, s3;
	s6 =	simm.s32 @!p1 $0x1082;
	[sflag:s4] =	ssyncset.s32 $0xFFFFF086  }
0x25: {  	[simem:s6], [sflag:s4] =	dma.local [hbm:s3], $0xF7A  }
0x26: {  	[smem:$0x3F99] =	sst s1;
	(tag) =	ssettag s2;
	_ =	strace s9  }
0x27: {  	s1 =	sld [smem:$0x3FA9]  }
0x28: {  	s2 =	sld [smem:$0x3FAA]  }
0x29: {  	s4 =	sld [smem:$0x3FAC]  }
0x2a: {  	p0 =	seq.s32 s5, $0x0;
	s5 =	sld [smem:$0x3FAD]  }
0x2b: {  	s6 =	sld [smem:$0x3FAE]  }
0x2c: {  	s7 =	sld [smem:$0x3FAF]  }
0x2d: {  	s3 =	simm.s32 $0x108;
	s8 =	sld [smem:$0x3FB0]  }
0x2e: {  	s3 =	simm.s32 @!p0 $0x1082;
	s9 =	sld [smem:$0x3FB1]  }
0x2f: {  	lr =	sadd.s32 s0, s3;
	s0 =	sld [smem:$0x3FA8]  }
0x30: {  	s3 =	sld [smem:$0x3FAB]  }
0x31: {  	[smem:$0x3FB4] =	sst s10  }
0x32: {  	s10 =	sld [smem:$0x3FB2];
	_ =	sdelay $0x3  }
0x33: {  	p0 =	seq.s32 s10, $0x1;
	s10 =	sld [smem:$0x3FB4];
	_ =	sdelay $0x3  }
0x34: {  	[smem:$0x3FB4] =	sst s10  }
0x35: {  	s10 =	sld [smem:$0x3FB3];
	_ =	sdelay $0x3  }
0x36: {  	p1 =	seq.s32 s10, $0x1;
	s10 =	sld [smem:$0x3FB4];
	_ =	sdelay $0x3  }
0x37: {  	[smem:$0x3FB4] =	sst s10  }
0x38: {  	s10 =	sld [smem:$0x3FB5]  }
0x39: {  	_ = 	snop;
	(pc) =	sbr.ind lr, $3  }
0x3a: {  	_ = 	snop  }
0x3b: {  	_ = 	snop  }
0x3c: {  	p2 =	seq.s32 s10, $0x1;
	s10 =	sld [smem:$0x3FB4]  }
0x3d: {  	_ =	shalt  }
0x3e: {  	_ =	shalt  }
0x3f: {  	_ =	shalt  }
0x40: {  	_ =	shalt  }
0x41: {  	_ =	shalt  }
0x42: {  	_ =	shalt  }
0x43: {  	_ =	shalt  }
0x44: {  	_ =	shalt  }
0x45: {  	_ =	shalt  }
0x46: {  	_ =	shalt  }
0x47: {  	_ =	shalt  }
0x48: {  	_ =	shalt  }
0x49: {  	_ =	shalt  }
0x4a: {  	_ =	shalt  }
0x4b: {  	_ =	shalt  }
0x4c: {  	_ =	shalt  }
0x4d: {  	_ =	shalt  }
0x4e: {  	_ =	shalt  }
0x4f: {  	_ =	shalt  }
0x50: {  	_ =	shalt  }
0x51: {  	_ =	shalt  }
0x52: {  	_ =	shalt  }
0x53: {  	_ =	shalt  }
0x54: {  	_ =	shalt  }
0x55: {  	_ =	shalt  }
0x56: {  	_ =	shalt  }
0x57: {  	_ =	shalt  }
0x58: {  	_ =	shalt  }
0x59: {  	_ =	shalt  }
0x5a: {  	_ =	shalt  }
0x5b: {  	_ =	shalt  }
0x5c: {  	_ =	shalt  }
0x5d: {  	_ =	shalt  }
0x5e: {  	_ =	shalt  }
0x5f: {  	_ =	shalt  }
0x60: {  	_ =	shalt  }
0x61: {  	_ =	shalt  }
0x62: {  	_ =	shalt  }
0x63: {  	_ =	shalt  }
0x64: {  	_ =	shalt  }
0x65: {  	_ =	shalt  }
0x66: {  	_ =	shalt  }
0x67: {  	_ =	shalt  }
0x68: {  	_ =	shalt  }
0x69: {  	_ =	shalt  }
0x6a: {  	_ =	shalt  }
0x6b: {  	_ =	shalt  }
0x6c: {  	_ =	shalt  }
0x6d: {  	_ =	shalt  }
0x6e: {  	_ =	shalt  }
0x6f: {  	_ =	shalt  }
0x70: {  	_ =	shalt  }
0x71: {  	_ =	shalt  }
0x72: {  	_ =	shalt  }
0x73: {  	_ =	shalt  }
0x74: {  	_ =	shalt  }
0x75: {  	_ =	shalt  }
0x76: {  	_ =	shalt  }
0x77: {  	_ =	shalt  }
0x78: {  	_ =	shalt  }
0x79: {  	_ =	shalt  }
0x7a: {  	_ =	shalt  }
0x7b: {  	_ =	shalt  }
0x7c: {  	_ =	shalt  }
0x7d: {  	_ =	shalt  }
0x7e: {  	_ =	shalt  }
0x7f: {  	_ =	shalt  }
0x80: {  	_ =	shalt  }
0x81: {  	_ =	shalt  }
0x82: {  	_ =	shalt  }
0x83: {  	_ =	shalt  }
0x84: {  	_ =	shalt  }
0x85: {  	_ =	shalt  }
0x86: {  	_ =	shalt  }
0x87: {  	_ =	shalt  }
.Lfunc_end0:
.L_simem_size_0:
called_computation.1_lowered:
.L_overlay_start_0:
0x88: {  	s2 =	sld [smem:$0x3FD9]  }
0x89: {  	s3 =	sld [smem:$0x3FFE];
	_ =	sdelay $0x1  }
0x8a: {  	s1 =	srdreg.scid  }
0x8b: {  	s0 =	sand.u32 $0x1, s1  }
0x8c: {  	s17 =	sshll.u32 s0, $0xA;
	s2 =	sadd.s32 s3, s2  }
0x8d: {  	s2 =	sadd.s32 s2, s17  }
0x8e: {  	[smem:$0x3FC0] =	sst s2  }
0x8f: {  	_ = 	snop  }
0x90: {  	s2 =	sld [smem:$0x3FD0];
	(tm) =	ssettm $0x1  }
0x91: {  	s18 =	sld [smem:$0x3FFB];
	_ =	sdelay $0x3  }
0x92: {  	_ =	strace s18  }
0x93: {  	s3 =	sld [smem:$0x3FFC];
	_ =	sdelay $0x3  }
0x94: {  	_ =	strace s3  }
0x95: {  	s3 =	sld [smem:$0x3FFD];
	_ =	sdelay $0x3  }
0x96: {  	_ =	strace s3  }
0x97: {  	_ =	strace $0x8FFFFFFF  }
0x98: {  	s19 =	sld [smem:$0x3FDB];
	_ =	sdelay $0x1  }
0x99: {  	s4 =	simm.s32 $_scs_section_size  }
0x9a: {  	s5 =	simm.s32 $_size__tile_overlayer_lowered;
	s6 =	simm.s32 $_tile_overlayer_lowered  }
0x9b: {  	s22 =	simm.s32 $0x1BFF;
	s21 =	sshll.u32 s6, $0x1;
	s3 =	sadd.s32 s4, s19  }
0x9c: {  	s7 =	simm.s32 $0x0;
	s20 =	sshll.u32 s5, $0x1;
	s5 =	sadd.s32 s21, s3  }
0x9d: {  	[timem:s7], [sflag:s22] =	dma.local [hbm:s5], s20  }
0x9e: {  	_ =	swait.ge [sflag:s22], s20  }
0x9f: {  	s4 =	ssub.s32 $0x0, s20;
	[sflag:s22] =	ssyncset.done $0x0  }
0xa0: {  	[sflag:s22] =	ssyncadd.s32 s4;
	_ =	sdelay $0x1  }
0xa1: {  	s23 =	simm.s32 $0x1B8B  }
0xa2: {  	_ =	swait.ge [sflag:s23], $0x1  }
0xa3: {  	[sflag:s23] =	ssyncset.done $0x0  }
0xa4: {  	s25 =	simm.s32 $0x1B8E;
	s24 =	sld [smem:$0x3FFE];
	[sflag:s23] =	ssyncadd.s32 $0xFFFFFFFF  }
0xa5: {  	s26 =	simm.s32 $execute0_lowered;
	[smem:$0x3FD2] =	sst s25  }
0xa6: {  	s5 =	sshll.u32 s26, $0x1;
	_ =	strace $0x80000049;
	[dreg:$0x1] =	wrdreg $0xFFFFFFFF  }
0xa7: {  	s28 =	simm.s32 $_size_execute0_lowered;
	s3 =	sadd.s32 s3, s5;
	[dreg:$0x0] =	wrdreg $0x0  }
0xa8: {  	s5 =	sshll.u32 s28, $0x1;
	[dreg:$0x2] =	wrdreg s3  }
0xa9: {  	[dreg:$0x3] =	wrdreg s5  }
0xaa: {  	[dreg:$0x4] =	wrdreg $0xC0  }
0xab: {  	_ =	task [dreg:s7], $0x5FFFF  }
0xac: {  	[dreg:$0x1] =	wrdreg $0xFFFFFFFF  }
0xad: {  	[dreg:$0x0] =	wrdreg $0x60  }
0xae: {  	[dreg:$0x2] =	wrdreg s24  }
0xaf: {  	[dreg:$0x3] =	wrdreg s2  }
0xb0: {  	[dreg:$0x4] =	wrdreg $0x28000  }
0xb1: {  	[dreg:$0x5] =	wrdreg $0x9  }
0xb2: {  	_ =	task.clear_ibuf [dreg:s7], $0x6FFFF;
	_ =	strace $0x90000049  }
0xb3: {  	s29 =	simm.s32 $0x9;
	_ =	strace $0x8000004B  }
0xb4: {  	_ =	swait.ge [sflag:s29], $0x1  }
0xb5: {  	[sflag:s29] =	ssyncadd.s32 $0xFFFFFFFF  }
0xb6: {  	_ =	strace $0x9000004B  }
0xb7: {  	_ =	sfence  }
0xb8: {  	s30 =	sld [smem:$0x0];
	_ =	sdelay $0x2  }
0xb9: {  	s31 =	sshll.u32 s1, $0xD;
	s1 =	sshrl.u32 s1, $0x2  }
0xba: {  	s3 =	sand.u32 $0x4000, s31;
	s1 =	sadd.s32 s1, s30  }
0xbb: {  	s0 =	sor.u32 s3, s0;
	s1 =	sshll.u32 s1, $0x11  }
0xbc: {  	s0 =	sor.u32 s1, s0  }
0xbd: {  	s0 =	sadd.s32 $0x8F2B, s0  }
0xbe: {  	[sflag:s0] =	ssyncadd.remote.s32 $0x1  }
0xbf: {  	_ =	sfence.sel $0xFFFF  }
0xc0: {  	[dreg:$0x0] =	wrdreg $0xFFFFFFFF;
	(pc) =	sbr.abs _section_cstart, $3  }
0xc1: {  	[dreg:$0x1] =	wrdreg $0xFFFFFFFF  }
0xc2: {  	_ =	task.clear_ibuf [dreg:s7], $0x2FFFF;
	_ =	strace $0x9FFFFFFF  }
0xc3: {  	(tm) =	ssettm $0x7FFFFFFF  }
tec
execute0_lowered:
.L_overlay_start_1:
0x0: {  	(tag) =	ssettag $0x1  }
0x1: {  	s5 =	rddreg [dreg:$0x0]  }
0x2: {  	s6 =	rddreg [dreg:$0x1]  }
0x3: {  	s2 =	rddreg [dreg:$0x2]  }
0x4: {  	s0 =	rddreg [dreg:$0x3]  }
0x5: {  	s1 =	stileid.u32;
	s4 =	srdreg.scid  }
0x6: {  	s3 =	simm.s32 $0x0;
	s15 =	simm.s32 $0x1400;
	s16 =	simm.s32 $0x80  }
0x7: {  	s17 =	simm.s32 $0x16800;
	s18 =	simm.s32 $0x1A800;
	s19 =	simm.s32 $0x1  }
0x8: {  	s20 =	simm.s32 $0x2;
	s21 =	simm.s32 $0x0;
	s7 =	smul.u32 $0x2800, s1  }
0x9: {  	s8 =	smul.u32 $0x14000, s1;
	s9 =	sand.u32 $0x1, s4;
	[smem:$0x7FF] =	sst s3  }
0xa: {  	s4 =	sadd.s32 $0x85C00, s5;
	s12 =	smul.u32 $0x50000, s1;
	s31 =	sshll.u32 s1, $0x6  }
0xb: {  	s10 =	smul.u32 $0x140000, s9;
	_ =	strace $0x8000004A;
	s26 =	ssub.s32 $0x2, s9  }
0xc: {  	s13 =	smul.u32 $0x28000, s9;
	s11 =	sshrl.u32 s7, $0x3;
	s9 =	sshrl.u32 s26, $0x1  }
0xd: {  	s28 =	sshrl.u32 s12, $0x2;
	s11 =	sadd.s32 s11, s5;
	s10 =	sadd.s32 s8, s10  }
0xe: {  	s8 =	sshrl.u32 s8, $0x3;
	s7 =	sadd.s32 s7, s13;
	s29 =	ssub.s32 s26, s9  }
0xf: {  	s30 =	sadd.s32 s28, s2;
	s10 =	sshrl.u32 s10, $0x3;
	s8 =	sadd.s32 s8, s5  }
0x10: {  	s7 =	sshrl.u32 s7, $0x3;
	s12 =	smax.u32 s29, $0x1;
	s13 =	sshrl.u32 s30, $0x3  }
0x11: {  	s14 =	sadd.s32 s10, s5;
	s5 =	sadd.s32 $0x8400, s8;
	s6 =	sadd.s32 s6, s7  }
0x12: {  	s7 =	sor.u32 $0x1C03, s31;
	s8 =	sadd.s32 $0x3400, s11;
	s10 =	sadd.s32 $0x3680, s11  }
0x13: {  	s9 =	sadd.s32 $0x280, s6;
	s11 =	sadd.s32 $0xD3E00, s14;
	s14 =	simm.s32 $0x3  }
.LBB2_1:
0x14: {  	[spmem:s13], [sflag:s7] =	dma.local [hbm:s5], $0x2800  }
0x15: {  	_ =	swait.ge [sflag:s14], $0x2800  }
0x16: {  	[sflag:s14] =	ssyncset.done $0x0  }
0x17: {  	[sflag:s14] =	ssyncadd.s32 $0xFFFFD800  }
0x18: {  	[bflag:$0x0] =	sbarrier.arrive $0xFFFF  }
0x19: {  	[tilespmem:s3], [sflag:$0x3] =	stream.linear.gather [hbm4b:s6+s3], $0x1400, $0x38;
	[tilespmem:$0x1E800] =	vst v63  }
0x1a: {  	_ =	swait.ge [sflag:s14], $0x1400  }
0x1b: {  	[sflag:s14] =	ssyncset.done $0x0  }
0x1c: {  	[sflag:s14] =	ssyncadd.s32 $0xFFFFEC00  }
0x1d: {  	[tilespmem:s15], [sflag:$0x3] =	stream.linear.gather [hbm4b:s8+s3], $0x1400, $0x38;
	[tilespmem:$0x1E800] =	vst v63  }
0x1e: {  	_ =	swait.ge [sflag:s14], $0x1400  }
0x1f: {  	[sflag:s14] =	ssyncset.done $0x0  }
0x20: {  	[sflag:s14] =	ssyncadd.s32 $0xFFFFEC00  }
0x21: {  	[tilespmem:s17], [sflag:$0x1] =	stream.indirect.gather [hbm4b:s4+s16], $0x80, s3, s16, $0xb8;
	[tilespmem:$0x1E800] =	vst v63  }
0x22: {  	_ = 	snop  }
0x23: {  	[tilespmem:s18], [sflag:$0x2] =	stream.indirect.gather [hbm4b:s4+s16], $0x80, s16, s16, $0xb8;
	[tilespmem:$0x1E800] =	vst v63  }
0x24: {  	_ =	swait.ge [sflag:s19], $0x4000  }
0x25: {  	[sflag:s19] =	ssyncset.done $0x0  }
0x26: {  	s22 =	simm.s32 $0x1400;
	[sflag:s19] =	ssyncadd.s32 $0xFFFFC000  }
0x27: {  	[spmem:s2] =	stream.indirect.scatter.add.f32 [tilespmem:s17], [sflag:$0x3], $0x80, s22, s16, $0xb8;
	[tilespmem:$0x1E800] =	vst v63  }
0x28: {  	s30 =	smin.u32 s3, $0x24;
	_ =	swait.ge [sflag:s14], $0x4000  }
0x29: {  	s23 =	sshll.u32 s30, $0x7;
	[sflag:s14] =	ssyncset.done $0x0  }
0x2a: {  	s22 =	sadd.s32 $0x100, s23;
	[sflag:s14] =	ssyncadd.s32 $0xFFFFC000  }
0x2b: {  	[tilespmem:s17], [sflag:$0x1] =	stream.indirect.gather [hbm4b:s4+s16], $0x80, s22, s16, $0xb8;
	[tilespmem:$0x1E800] =	vst v63  }
0x2c: {  	_ =	swait.ge [sflag:s20], $0x4000  }
0x2d: {  	[sflag:s20] =	ssyncset.done $0x0  }
0x2e: {  	s31 =	simm.s32 $0x1480;
	[sflag:s20] =	ssyncadd.s32 $0xFFFFC000  }
0x2f: {  	[spmem:s2] =	stream.indirect.scatter.add.f32 [tilespmem:s18], [sflag:$0x3], $0x80, s31, s16, $0xb8;
	[tilespmem:$0x1E800] =	vst v63  }
0x30: {  	_ =	swait.ge [sflag:s14], $0x4000  }
0x31: {  	s24 =	sadd.s32 $0x180, s23;
	[sflag:s14] =	ssyncset.done $0x0  }
0x32: {  	s23 =	simm.s32 $0x1580;
	s22 =	simm.s32 $0x2;
	[sflag:s14] =	ssyncadd.s32 $0xFFFFC000  }
.LBB2_2:
0x33: {  	[tilespmem:s18], [sflag:$0x2] =	stream.indirect.gather [hbm4b:s4+s16], $0x80, s24, s16, $0xb8;
	[tilespmem:$0x1E800] =	vst v63  }
0x34: {  	s24 =	smov.u32 s22  }
0x35: {  	p0 =	sne.s32 s22, $0x26;
	s22 =	sadd.s32 $0x2, s22;
	_ =	swait.ge [sflag:s19], $0x4000  }
0x36: {  	[sflag:s19] =	ssyncset.done $0x0  }
0x37: {  	s25 =	sadd.s32 $0xFFFFFF80, s23;
	[sflag:s19] =	ssyncadd.s32 $0xFFFFC000  }
0x38: {  	[spmem:s2] =	stream.indirect.scatter.add.f32 [tilespmem:s17], [sflag:$0x3], $0x80, s25, s16, $0xb8;
	[tilespmem:$0x1E800] =	vst v63  }
0x39: {  	s24 =	smin.u32 s24, $0x24;
	_ =	swait.ge [sflag:s14], $0x4000  }
0x3a: {  	s24 =	sshll.u32 s24, $0x7;
	[sflag:s14] =	ssyncset.done $0x0  }
0x3b: {  	s25 =	sadd.s32 $0x100, s24;
	[sflag:s14] =	ssyncadd.s32 $0xFFFFC000  }
0x3c: {  	[tilespmem:s17], [sflag:$0x1] =	stream.indirect.gather [hbm4b:s4+s16], $0x80, s25, s16, $0xb8;
	[tilespmem:$0x1E800] =	vst v63  }
0x3d: {  	_ =	swait.ge [sflag:s20], $0x4000  }
0x3e: {  	[sflag:s20] =	ssyncset.done $0x0  }
.Ltmp0:
0x3f: {  	[sflag:s20] =	ssyncadd.s32 $0xFFFFC000;
	(pc) =	sbr.rel @p0 .LBB2_2-.Ltmp0, $4  }
0x40: {  	[spmem:s2] =	stream.indirect.scatter.add.f32 [tilespmem:s18], [sflag:$0x3], $0x80, s23, s16, $0xb8;
	[tilespmem:$0x1E800] =	vst v63  }
0x41: {  	_ =	swait.ge [sflag:s14], $0x4000  }
0x42: {  	[sflag:s14] =	ssyncset.done $0x0  }
0x43: {  	s24 =	sadd.s32 $0x180, s24;
	s23 =	sadd.s32 $0x100, s23;
	[sflag:s14] =	ssyncadd.s32 $0xFFFFC000  }
0x44: {  	[tilespmem:s18], [sflag:$0x2] =	stream.indirect.gather [hbm4b:s4+s16], $0x80, s24, s16, $0xb8;
	[tilespmem:$0x1E800] =	vst v63  }
0x45: {  	_ =	swait.ge [sflag:s19], $0x4000  }
0x46: {  	[sflag:s19] =	ssyncset.done $0x0  }
0x47: {  	[sflag:s19] =	ssyncadd.s32 $0xFFFFC000  }
0x48: {  	_ =	swait.ge [sflag:s20], $0x4000  }
0x49: {  	[sflag:s20] =	ssyncset.done $0x0  }
0x4a: {  	s22 =	simm.s32 $0x0;
	[sflag:s20] =	ssyncadd.s32 $0xFFFFC000  }
0x4b: {  	[tilespmem:s22], [sflag:$0x3] =	stream.linear.gather [hbm4b:s9+s22], $0x1400, $0x38;
	[tilespmem:$0x1E800] =	vst v63  }
0x4c: {  	_ =	swait.ge [sflag:s14], $0x1400  }
0x4d: {  	[sflag:s14] =	ssyncset.done $0x0  }
0x4e: {  	[sflag:s14] =	ssyncadd.s32 $0xFFFFEC00  }
0x4f: {  	[tilespmem:s15], [sflag:$0x3] =	stream.linear.gather [hbm4b:s10+s22], $0x1400, $0x38;
	[tilespmem:$0x1E800] =	vst v63  }
0x50: {  	_ =	swait.ge [sflag:s14], $0x1400  }
0x51: {  	[sflag:s14] =	ssyncset.done $0x0  }
0x52: {  	[sflag:s14] =	ssyncadd.s32 $0xFFFFEC00  }
0x53: {  	[tilespmem:s17], [sflag:$0x1] =	stream.indirect.gather [hbm4b:s4+s16], $0x80, s22, s16, $0xb8;
	[tilespmem:$0x1E800] =	vst v63  }
0x54: {  	_ = 	snop  }
0x55: {  	[tilespmem:s18], [sflag:$0x2] =	stream.indirect.gather [hbm4b:s4+s16], $0x80, s16, s16, $0xb8;
	[tilespmem:$0x1E800] =	vst v63  }
0x56: {  	_ =	swait.ge [sflag:s19], $0x4000  }
0x57: {  	[sflag:s19] =	ssyncset.done $0x0  }
0x58: {  	s23 =	simm.s32 $0x1400;
	[sflag:s19] =	ssyncadd.s32 $0xFFFFC000  }
0x59: {  	[spmem:s2] =	stream.indirect.scatter.add.f32 [tilespmem:s17], [sflag:$0x3], $0x80, s23, s16, $0xb8;
	[tilespmem:$0x1E800] =	vst v63  }
0x5a: {  	s22 =	smin.u32 s22, $0x24;
	_ =	swait.ge [sflag:s14], $0x4000  }
0x5b: {  	s30 =	sshll.u32 s22, $0x7;
	[sflag:s14] =	ssyncset.done $0x0  }
0x5c: {  	s22 =	sadd.s32 $0x100, s30;
	[sflag:s14] =	ssyncadd.s32 $0xFFFFC000  }
0x5d: {  	[tilespmem:s17], [sflag:$0x1] =	stream.indirect.gather [hbm4b:s4+s16], $0x80, s22, s16, $0xb8;
	[tilespmem:$0x1E800] =	vst v63  }
0x5e: {  	_ =	swait.ge [sflag:s20], $0x4000  }
0x5f: {  	[sflag:s20] =	ssyncset.done $0x0  }
0x60: {  	s31 =	simm.s32 $0x1480;
	[sflag:s20] =	ssyncadd.s32 $0xFFFFC000  }
0x61: {  	[spmem:s2] =	stream.indirect.scatter.add.f32 [tilespmem:s18], [sflag:$0x3], $0x80, s31, s16, $0xb8;
	[tilespmem:$0x1E800] =	vst v63  }
0x62: {  	_ =	swait.ge [sflag:s14], $0x4000  }
0x63: {  	s24 =	sadd.s32 $0x180, s30;
	[sflag:s14] =	ssyncset.done $0x0  }
0x64: {  	s23 =	simm.s32 $0x1580;
	s22 =	simm.s32 $0x2;
	[sflag:s14] =	ssyncadd.s32 $0xFFFFC000  }
.LBB2_4:
0x65: {  	[tilespmem:s18], [sflag:$0x2] =	stream.indirect.gather [hbm4b:s4+s16], $0x80, s24, s16, $0xb8;
	[tilespmem:$0x1E800] =	vst v63  }
0x66: {  	s24 =	smov.u32 s22  }
0x67: {  	p0 =	sne.s32 s22, $0x26;
	s22 =	sadd.s32 $0x2, s22;
	_ =	swait.ge [sflag:s19], $0x4000  }
0x68: {  	[sflag:s19] =	ssyncset.done $0x0  }
0x69: {  	s25 =	sadd.s32 $0xFFFFFF80, s23;
	[sflag:s19] =	ssyncadd.s32 $0xFFFFC000  }
0x6a: {  	[spmem:s2] =	stream.indirect.scatter.add.f32 [tilespmem:s17], [sflag:$0x3], $0x80, s25, s16, $0xb8;
	[tilespmem:$0x1E800] =	vst v63  }
0x6b: {  	s24 =	smin.u32 s24, $0x24;
	_ =	swait.ge [sflag:s14], $0x4000  }
0x6c: {  	s24 =	sshll.u32 s24, $0x7;
	[sflag:s14] =	ssyncset.done $0x0  }
0x6d: {  	s25 =	sadd.s32 $0x100, s24;
	[sflag:s14] =	ssyncadd.s32 $0xFFFFC000  }
0x6e: {  	[tilespmem:s17], [sflag:$0x1] =	stream.indirect.gather [hbm4b:s4+s16], $0x80, s25, s16, $0xb8;
	[tilespmem:$0x1E800] =	vst v63  }
0x6f: {  	_ =	swait.ge [sflag:s20], $0x4000  }
0x70: {  	[sflag:s20] =	ssyncset.done $0x0  }
.Ltmp1:
0x71: {  	[sflag:s20] =	ssyncadd.s32 $0xFFFFC000;
	(pc) =	sbr.rel @p0 .LBB2_4-.Ltmp1, $4  }
0x72: {  	[spmem:s2] =	stream.indirect.scatter.add.f32 [tilespmem:s18], [sflag:$0x3], $0x80, s23, s16, $0xb8;
	[tilespmem:$0x1E800] =	vst v63  }
0x73: {  	_ =	swait.ge [sflag:s14], $0x4000  }
0x74: {  	[sflag:s14] =	ssyncset.done $0x0  }
0x75: {  	s24 =	sadd.s32 $0x180, s24;
	s23 =	sadd.s32 $0x100, s23;
	[sflag:s14] =	ssyncadd.s32 $0xFFFFC000  }
0x76: {  	[tilespmem:s18], [sflag:$0x2] =	stream.indirect.gather [hbm4b:s4+s16], $0x80, s24, s16, $0xb8;
	[tilespmem:$0x1E800] =	vst v63  }
0x77: {  	_ =	swait.ge [sflag:s19], $0x4000  }
0x78: {  	[sflag:s19] =	ssyncset.done $0x0  }
0x79: {  	[sflag:s19] =	ssyncadd.s32 $0xFFFFC000  }
0x7a: {  	_ =	swait.ge [sflag:s20], $0x4000  }
0x7b: {  	s21 =	sadd.s32 $0x1, s21;
	[sflag:s20] =	ssyncset.done $0x0  }
0x7c: {  	p0 =	sne.s32 s21, s12;
	[sflag:s20] =	ssyncadd.s32 $0xFFFFC000  }
.Ltmp2:
0x7d: {  	[bflag:$0x0] =	sbarrier.arrive $0xFFFF;
	(pc) =	sbr.rel @p0 .LBB2_1-.Ltmp2, $4  }
0x7e: {  	[hbm:s11], [sflag:s7] =	dma.local [spmem:s13], $0x2800  }
0x7f: {  	_ =	swait.ge [sflag:s14], $0x2800  }
0x80: {  	[sflag:s14] =	ssyncset.done $0x0  }
0x81: {  	[sflag:s14] =	ssyncadd.s32 $0xFFFFD800  }
0x82: {  	_ =	sfence.sel $0x180000  }
0x83: {  	[bflag:$0x0] =	sbarrier.arrive $0xFFFF  }
0x84: {  	p0 =	sne.s32 s1, $0x0;
	_ =	strace $0x9000004A  }
0x85: {  	s0 =	sadd.s32 @!p0 $0x100000, s0;
	[bflag:$0x2] =	sbarrier.arrive $0xFFFF  }
0x86: {  	[sflag:s0] =	ssyncadd.tile.s32 @!p0 $0x1;
	_ =	shalt  }
.Lfunc_end2:
_tile_overlayer_lowered:
.L_overlay_start_2:
0x87: {  	(tag) =	ssettag $0x2  }
0x88: {  	s0 =	rddreg [dreg:$0x0];
	s2 =	stileid.u32  }
0x89: {  	s1 =	rddreg [dreg:$0x1];
	p0 =	sne.s32 s2, $0x0  }
0x8a: {  	s3 =	rddreg [dreg:$0x2];
	[bflag:$0x3] =	sbarrier.arrive $0xFFFF;
	s2 =	simm.s32 @!p0 $0x1C03  }
0x8b: {  	[timem:s3], [sflag:s2] =	dma.local @!p0 [hbm:s0], s1  }
0x8c: {  	s0 =	simm.s32 @!p0 $0x3  }
0x8d: {  	_ =	swait.ge @!p0 [sflag:s0], s1  }
0x8e: {  	s1 =	ssub.s32 @!p0 $0x0, s1;
	[sflag:s0] =	ssyncset.done @!p0 $0x0  }
0x8f: {  	[sflag:s0] =	ssyncadd.s32 @!p0 s1  }
0x90: {  	[bflag:$0x3] =	sbarrier.arrive $0xFFFF  }
0x91: {  	_ =	shalt  }

// kernel: kernel.15.cloned.1.call-start
scs
__scs_entry_jumppad:
0x0: {  	(pc) =	sbr.rel $0x88, $3  }
0x1: {  	(tag) =	ssettag $0x0;
	lr =	simm.s32 $0x1  }
0x2: {  	[smem:$0x3F99] =	sst lr;
	_ =	strace $0xD0000000  }
0x3: {  	_ = 	snop  }
0x4: {  	_ = 	snop  }
0x5: {  	_ = 	snop  }
0x6: {  	_ = 	snop  }
0x7: {  	_ = 	snop  }
__scs_overlays_trampoline_lowered:
0x8: {  	[smem:$0x3FA8] =	sst s0  }
0x9: {  	[smem:$0x3FA9] =	sst s1  }
0xa: {  	[smem:$0x3FAA] =	sst s2  }
0xb: {  	[smem:$0x3FAB] =	sst s3  }
0xc: {  	[smem:$0x3FAC] =	sst s4  }
0xd: {  	[smem:$0x3FAD] =	sst s5  }
0xe: {  	[smem:$0x3FAE] =	sst s6  }
0xf: {  	[smem:$0x3FAF] =	sst s7  }
0x10: {  	[smem:$0x3FB0] =	sst s8  }
0x11: {  	[smem:$0x3FB1] =	sst s9;
	s0 =	simm.s32 @!p0 $0x0  }
0x12: {  	s1 =	sld [smem:$0x3F97];
	s0 =	simm.s32 @p0 $0x1  }
0x13: {  	[smem:$0x3FB2] =	sst s0;
	s0 =	simm.s32 @!p1 $0x0  }
0x14: {  	s2 =	sld [smem:$0x3F96];
	s0 =	simm.s32 @p1 $0x1  }
0x15: {  	[smem:$0x3FB3] =	sst s0;
	s0 =	simm.s32 @!p2 $0x0  }
0x16: {  	s3 =	sld [smem:$0x3FDB];
	s0 =	simm.s32 @p2 $0x1  }
0x17: {  	s4 =	simm.s32 $0x1BF5;
	[smem:$0x3FB5] =	sst s0  }
0x18: {  	s0 =	sld [smem:$0x3F98];
	_ =	swait.ge [sflag:s4], $0x0  }
0x19: {  	s7 =	sld [smem:$0x3F99]  }
0x1a: {  	s8 =	sadd.s32 $0xFFFFE003, lr  }
0x1b: {  	s9 =	sadd.s32 $0xFFFFFEF7, lr;
	s5 =	simm.s32 $0xFFFFFFFF;
	p2 =	slt.u32 s8, $0xFFFFF086  }
0x1c: {  	p1 =	slt.u32 s9, $0xF7A;
	s5 =	simm.s32 @!p2 $0x0  }
0x1d: {  	s5 =	simm.s32 @p1 $0x1;
	p0 =	seq.s32 s7, s2  }
0x1e: {  	s7 =	smul.u32 @!p0 $0xF7A, s2;
	p2 =	seq.s32 @!p0 s5, $0x0  }
0x1f: {  	s9 =	smul.u32 $0xF7A, s1;
	s8 =	simm.s32 @!p0 $0x1BF5;
	p2 =	por !p2, p0  }
0x20: {  	[sflag:s8] =	ssyncset.s32 @!p0 $0xFFFFF086;
	s6 =	sadd.s32 @!p0 s3, s7;
	s7 =	simm.s32 @!p0 $0x108  }
0x21: {  	s3 =	sadd.s32 s3, s9;
	s6 =	sadd.s32 @!p0 $0x88, s6;
	s7 =	simm.s32 @p2 $0x1082  }
0x22: {  	[simem:s7], [sflag:s8] =	dma.local @!p0 [hbm:s6], $0xF7A  }
0x23: {  	s9 =	sor.u32 $0xD0000000, s2;
	s6 =	simm.s32 $0x108;
	_ =	swait.ge @!p0 [sflag:s8], $0x0  }
0x24: {  	s3 =	sadd.s32 $0x88, s3;
	s6 =	simm.s32 @!p1 $0x1082;
	[sflag:s4] =	ssyncset.s32 $0xFFFFF086  }
0x25: {  	[simem:s6], [sflag:s4] =	dma.local [hbm:s3], $0xF7A  }
0x26: {  	[smem:$0x3F99] =	sst s1;
	(tag) =	ssettag s2;
	_ =	strace s9  }
0x27: {  	s1 =	sld [smem:$0x3FA9]  }
0x28: {  	s2 =	sld [smem:$0x3FAA]  }
0x29: {  	s4 =	sld [smem:$0x3FAC]  }
0x2a: {  	p0 =	seq.s32 s5, $0x0;
	s5 =	sld [smem:$0x3FAD]  }
0x2b: {  	s6 =	sld [smem:$0x3FAE]  }
0x2c: {  	s7 =	sld [smem:$0x3FAF]  }
0x2d: {  	s3 =	simm.s32 $0x108;
	s8 =	sld [smem:$0x3FB0]  }
0x2e: {  	s3 =	simm.s32 @!p0 $0x1082;
	s9 =	sld [smem:$0x3FB1]  }
0x2f: {  	lr =	sadd.s32 s0, s3;
	s0 =	sld [smem:$0x3FA8]  }
0x30: {  	s3 =	sld [smem:$0x3FAB]  }
0x31: {  	[smem:$0x3FB4] =	sst s10  }
0x32: {  	s10 =	sld [smem:$0x3FB2];
	_ =	sdelay $0x3  }
0x33: {  	p0 =	seq.s32 s10, $0x1;
	s10 =	sld [smem:$0x3FB4];
	_ =	sdelay $0x3  }
0x34: {  	[smem:$0x3FB4] =	sst s10  }
0x35: {  	s10 =	sld [smem:$0x3FB3];
	_ =	sdelay $0x3  }
0x36: {  	p1 =	seq.s32 s10, $0x1;
	s10 =	sld [smem:$0x3FB4];
	_ =	sdelay $0x3  }
0x37: {  	[smem:$0x3FB4] =	sst s10  }
0x38: {  	s10 =	sld [smem:$0x3FB5]  }
0x39: {  	_ = 	snop;
	(pc) =	sbr.ind lr, $3  }
0x3a: {  	_ = 	snop  }
0x3b: {  	_ = 	snop  }
0x3c: {  	p2 =	seq.s32 s10, $0x1;
	s10 =	sld [smem:$0x3FB4]  }
0x3d: {  	_ =	shalt  }
0x3e: {  	_ =	shalt  }
0x3f: {  	_ =	shalt  }
0x40: {  	_ =	shalt  }
0x41: {  	_ =	shalt  }
0x42: {  	_ =	shalt  }
0x43: {  	_ =	shalt  }
0x44: {  	_ =	shalt  }
0x45: {  	_ =	shalt  }
0x46: {  	_ =	shalt  }
0x47: {  	_ =	shalt  }
0x48: {  	_ =	shalt  }
0x49: {  	_ =	shalt  }
0x4a: {  	_ =	shalt  }
0x4b: {  	_ =	shalt  }
0x4c: {  	_ =	shalt  }
0x4d: {  	_ =	shalt  }
0x4e: {  	_ =	shalt  }
0x4f: {  	_ =	shalt  }
0x50: {  	_ =	shalt  }
0x51: {  	_ =	shalt  }
0x52: {  	_ =	shalt  }
0x53: {  	_ =	shalt  }
0x54: {  	_ =	shalt  }
0x55: {  	_ =	shalt  }
0x56: {  	_ =	shalt  }
0x57: {  	_ =	shalt  }
0x58: {  	_ =	shalt  }
0x59: {  	_ =	shalt  }
0x5a: {  	_ =	shalt  }
0x5b: {  	_ =	shalt  }
0x5c: {  	_ =	shalt  }
0x5d: {  	_ =	shalt  }
0x5e: {  	_ =	shalt  }
0x5f: {  	_ =	shalt  }
0x60: {  	_ =	shalt  }
0x61: {  	_ =	shalt  }
0x62: {  	_ =	shalt  }
0x63: {  	_ =	shalt  }
0x64: {  	_ =	shalt  }
0x65: {  	_ =	shalt  }
0x66: {  	_ =	shalt  }
0x67: {  	_ =	shalt  }
0x68: {  	_ =	shalt  }
0x69: {  	_ =	shalt  }
0x6a: {  	_ =	shalt  }
0x6b: {  	_ =	shalt  }
0x6c: {  	_ =	shalt  }
0x6d: {  	_ =	shalt  }
0x6e: {  	_ =	shalt  }
0x6f: {  	_ =	shalt  }
0x70: {  	_ =	shalt  }
0x71: {  	_ =	shalt  }
0x72: {  	_ =	shalt  }
0x73: {  	_ =	shalt  }
0x74: {  	_ =	shalt  }
0x75: {  	_ =	shalt  }
0x76: {  	_ =	shalt  }
0x77: {  	_ =	shalt  }
0x78: {  	_ =	shalt  }
0x79: {  	_ =	shalt  }
0x7a: {  	_ =	shalt  }
0x7b: {  	_ =	shalt  }
0x7c: {  	_ =	shalt  }
0x7d: {  	_ =	shalt  }
0x7e: {  	_ =	shalt  }
0x7f: {  	_ =	shalt  }
0x80: {  	_ =	shalt  }
0x81: {  	_ =	shalt  }
0x82: {  	_ =	shalt  }
0x83: {  	_ =	shalt  }
0x84: {  	_ =	shalt  }
0x85: {  	_ =	shalt  }
0x86: {  	_ =	shalt  }
0x87: {  	_ =	shalt  }
.Lfunc_end0:
.L_simem_size_0:
called_computation.2_lowered:
.L_overlay_start_0:
0x88: {  	s2 =	sld [smem:$0x3FD9]  }
0x89: {  	s3 =	sld [smem:$0x3FFE];
	_ =	sdelay $0x1  }
0x8a: {  	s1 =	srdreg.scid  }
0x8b: {  	s0 =	sand.u32 $0x1, s1  }
0x8c: {  	s16 =	sshll.u32 s0, $0xA;
	s2 =	sadd.s32 s3, s2  }
0x8d: {  	s2 =	sadd.s32 s2, s16  }
0x8e: {  	[smem:$0x3FC0] =	sst s2  }
0x8f: {  	_ = 	snop  }
0x90: {  	(tm) =	ssettm $0x1  }
0x91: {  	s17 =	sld [smem:$0x3FFB];
	_ =	sdelay $0x3  }
0x92: {  	_ =	strace s17  }
0x93: {  	s2 =	sld [smem:$0x3FFC];
	_ =	sdelay $0x3  }
0x94: {  	_ =	strace s2  }
0x95: {  	s2 =	sld [smem:$0x3FFD];
	_ =	sdelay $0x3  }
0x96: {  	_ =	strace s2  }
0x97: {  	_ =	strace $0x8FFFFFFF  }
0x98: {  	s18 =	sld [smem:$0x3FDB];
	_ =	sdelay $0x1  }
0x99: {  	s19 =	simm.s32 $_scs_section_size  }
0x9a: {  	s4 =	simm.s32 $_size__tile_overlayer_lowered;
	s5 =	simm.s32 $_tile_overlayer_lowered  }
0x9b: {  	s22 =	simm.s32 $0x1BFF;
	s21 =	sshll.u32 s5, $0x1;
	s2 =	sadd.s32 s19, s18  }
0x9c: {  	s6 =	simm.s32 $0x0;
	s20 =	sshll.u32 s4, $0x1;
	s4 =	sadd.s32 s21, s2  }
0x9d: {  	[timem:s6], [sflag:s22] =	dma.local [hbm:s4], s20  }
0x9e: {  	_ =	swait.ge [sflag:s22], s20  }
0x9f: {  	s3 =	ssub.s32 $0x0, s20;
	[sflag:s22] =	ssyncset.done $0x0  }
0xa0: {  	[sflag:s22] =	ssyncadd.s32 s3;
	_ =	sdelay $0x1  }
0xa1: {  	s23 =	simm.s32 $0x1B8B  }
0xa2: {  	_ =	swait.ge [sflag:s23], $0x1  }
0xa3: {  	[sflag:s23] =	ssyncset.done $0x0  }
0xa4: {  	s25 =	simm.s32 $0x1B8E;
	s24 =	sld [smem:$0x3FFE];
	[sflag:s23] =	ssyncadd.s32 $0xFFFFFFFF  }
0xa5: {  	s26 =	simm.s32 $execute0_lowered;
	[smem:$0x3FD2] =	sst s25  }
0xa6: {  	s4 =	sshll.u32 s26, $0x1;
	_ =	strace $0x8000004C;
	[dreg:$0x1] =	wrdreg $0xFFFFFFFF  }
0xa7: {  	s28 =	simm.s32 $_size_execute0_lowered;
	s2 =	sadd.s32 s2, s4;
	[dreg:$0x0] =	wrdreg $0x0  }
0xa8: {  	s4 =	sshll.u32 s28, $0x1;
	[dreg:$0x2] =	wrdreg s2  }
0xa9: {  	[dreg:$0x3] =	wrdreg s4  }
0xaa: {  	[dreg:$0x4] =	wrdreg $0xC0  }
0xab: {  	_ =	task [dreg:s6], $0x5FFFF  }
0xac: {  	[dreg:$0x1] =	wrdreg $0xFFFFFFFF  }
0xad: {  	[dreg:$0x0] =	wrdreg $0x60  }
0xae: {  	[dreg:$0x2] =	wrdreg s24  }
0xaf: {  	[dreg:$0x3] =	wrdreg $0x8C000  }
0xb0: {  	[dreg:$0x4] =	wrdreg $0x28000  }
0xb1: {  	[dreg:$0x5] =	wrdreg $0x9  }
0xb2: {  	_ =	task.clear_ibuf [dreg:s6], $0x6FFFF;
	_ =	strace $0x9000004C  }
0xb3: {  	s29 =	simm.s32 $0x9;
	_ =	strace $0x8000004E  }
0xb4: {  	_ =	swait.ge [sflag:s29], $0x1  }
0xb5: {  	[sflag:s29] =	ssyncadd.s32 $0xFFFFFFFF  }
0xb6: {  	_ =	strace $0x9000004E  }
0xb7: {  	_ =	sfence  }
0xb8: {  	s30 =	sld [smem:$0x0];
	_ =	sdelay $0x2  }
0xb9: {  	s31 =	sshll.u32 s1, $0xD;
	s1 =	sshrl.u32 s1, $0x2  }
0xba: {  	s3 =	sand.u32 $0x4000, s31;
	s1 =	sadd.s32 s1, s30  }
0xbb: {  	s0 =	sor.u32 s3, s0;
	s1 =	sshll.u32 s1, $0x11  }
0xbc: {  	s0 =	sor.u32 s1, s0  }
0xbd: {  	s0 =	sadd.s32 $0x8F2B, s0  }
0xbe: {  	[sflag:s0] =	ssyncadd.remote.s32 $0x1  }
0xbf: {  	_ =	sfence.sel $0xFFFF  }
0xc0: {  	[dreg:$0x0] =	wrdreg $0xFFFFFFFF;
	(pc) =	sbr.abs _section_cstart, $3  }
0xc1: {  	[dreg:$0x1] =	wrdreg $0xFFFFFFFF  }
0xc2: {  	_ =	task.clear_ibuf [dreg:s6], $0x2FFFF;
	_ =	strace $0x9FFFFFFF  }
0xc3: {  	(tm) =	ssettm $0x7FFFFFFF  }
tec
execute0_lowered:
.L_overlay_start_1:
0x0: {  	(tag) =	ssettag $0x1  }
0x1: {  	s5 =	rddreg [dreg:$0x0]  }
0x2: {  	s2 =	rddreg [dreg:$0x1]  }
0x3: {  	s3 =	rddreg [dreg:$0x2]  }
0x4: {  	s0 =	rddreg [dreg:$0x3];
	s1 =	stileid.u32  }
0x5: {  	s6 =	srdreg.scid;
	s4 =	simm.s32 $0x0;
	s16 =	simm.s32 $0x80  }
0x6: {  	s17 =	simm.s32 $0xF000;
	s18 =	simm.s32 $0x10400;
	s19 =	simm.s32 $0x1  }
0x7: {  	s20 =	simm.s32 $0x2;
	s21 =	simm.s32 $0x0;
	s7 =	smul.u32 $0x6400, s1  }
0x8: {  	s6 =	sand.u32 $0x1, s6;
	[smem:$0x7FF] =	sst s4;
	s31 =	sshll.u32 s1, $0x6  }
0x9: {  	s8 =	sshll.u32 s6, $0x4;
	s9 =	smul.u32 $0x64000, s6;
	_ =	strace $0x8000004D  }
0xa: {  	s6 =	ssub.s32 $0x2, s6;
	s8 =	sor.u32 s1, s8;
	s10 =	sshrl.u32 s7, $0x3  }
0xb: {  	s30 =	sshrl.u32 s6, $0x1;
	s14 =	sadd.s32 s7, s2;
	s15 =	sadd.s32 s7, s3  }
0xc: {  	s8 =	smul.u32 $0x280, s8;
	s9 =	sadd.s32 s7, s9;
	s10 =	sadd.s32 s10, s5  }
0xd: {  	s13 =	ssub.s32 s6, s30;
	s6 =	sor.u32 $0x1C03, s31;
	s9 =	sshrl.u32 s9, $0x3  }
0xe: {  	s7 =	sadd.s32 $0x8400, s10;
	s11 =	sadd.s32 s8, s5;
	s12 =	sadd.s32 s9, s5  }
0xf: {  	s5 =	sadd.s32 $0x14C00, s10;
	s8 =	sadd.s32 $0x80C00, s11;
	s9 =	sadd.s32 $0x3400, s11  }
0x10: {  	s10 =	sadd.s32 $0x85C00, s12;
	s11 =	smax.u32 s13, $0x1;
	s12 =	sshrl.u32 s14, $0x3  }
0x11: {  	s13 =	simm.s32 $0x3;
	s14 =	sshrl.u32 s15, $0x3;
	s15 =	simm.s32 $0x1400  }
.LBB2_1:
0x12: {  	[spmem:s12], [sflag:s6] =	dma.local [hbm:s5], $0xC80  }
0x13: {  	_ =	swait.ge [sflag:s13], $0xC80  }
0x14: {  	[sflag:s13] =	ssyncset.done $0x0  }
0x15: {  	[sflag:s13] =	ssyncadd.s32 $0xFFFFF380  }
0x16: {  	[spmem:s14], [sflag:s6] =	dma.local [hbm:s7], $0xC80  }
0x17: {  	_ =	swait.ge [sflag:s13], $0xC80  }
0x18: {  	[sflag:s13] =	ssyncset.done $0x0  }
0x19: {  	[sflag:s13] =	ssyncadd.s32 $0xFFFFF380  }
0x1a: {  	[tilespmem:s4], [sflag:$0x3] =	stream.linear.gather [hbm4b:s8+s4], $0x1400, $0x38;
	[tilespmem:$0x11800] =	vst v63  }
0x1b: {  	_ =	swait.ge [sflag:s13], $0x1400  }
0x1c: {  	[sflag:s13] =	ssyncset.done $0x0  }
0x1d: {  	[sflag:s13] =	ssyncadd.s32 $0xFFFFEC00  }
0x1e: {  	[tilespmem:s15], [sflag:$0x3] =	stream.linear.gather [hbm4b:s9+s4], $0x1400, $0x38;
	[tilespmem:$0x11800] =	vst v63  }
0x1f: {  	_ =	swait.ge [sflag:s13], $0x1400  }
0x20: {  	[sflag:s13] =	ssyncset.done $0x0  }
0x21: {  	[sflag:s13] =	ssyncadd.s32 $0xFFFFEC00  }
0x22: {  	[bflag:$0x0] =	sbarrier.arrive $0xFFFF  }
0x23: {  	[tilespmem:s17], [sflag:$0x1] =	stream.indirect.gather [spmem:s3], $0x28, s4, s16, $0xb8;
	[tilespmem:$0x11800] =	vst v63  }
0x24: {  	_ = 	snop  }
0x25: {  	[tilespmem:s18], [sflag:$0x2] =	stream.indirect.gather [spmem:s3], $0x28, s16, s16, $0xb8;
	[tilespmem:$0x11800] =	vst v63  }
0x26: {  	_ =	swait.ge [sflag:s19], $0x1400  }
0x27: {  	[sflag:s19] =	ssyncset.done $0x0  }
0x28: {  	s22 =	simm.s32 $0x1400;
	[sflag:s19] =	ssyncadd.s32 $0xFFFFEC00  }
0x29: {  	[spmem:s2] =	stream.indirect.scatter.add.f32 [tilespmem:s17], [sflag:$0x3], $0x28, s22, s16, $0xb8;
	[tilespmem:$0x11800] =	vst v63  }
0x2a: {  	s30 =	smin.u32 s4, $0x24;
	_ =	swait.ge [sflag:s13], $0x1400  }
0x2b: {  	s23 =	sshll.u32 s30, $0x7;
	[sflag:s13] =	ssyncset.done $0x0  }
0x2c: {  	s22 =	sadd.s32 $0x100, s23;
	[sflag:s13] =	ssyncadd.s32 $0xFFFFEC00  }
0x2d: {  	[tilespmem:s17], [sflag:$0x1] =	stream.indirect.gather [spmem:s3], $0x28, s22, s16, $0xb8;
	[tilespmem:$0x11800] =	vst v63  }
0x2e: {  	_ =	swait.ge [sflag:s20], $0x1400  }
0x2f: {  	[sflag:s20] =	ssyncset.done $0x0  }
0x30: {  	s31 =	simm.s32 $0x1480;
	[sflag:s20] =	ssyncadd.s32 $0xFFFFEC00  }
0x31: {  	[spmem:s2] =	stream.indirect.scatter.add.f32 [tilespmem:s18], [sflag:$0x3], $0x28, s31, s16, $0xb8;
	[tilespmem:$0x11800] =	vst v63  }
0x32: {  	_ =	swait.ge [sflag:s13], $0x1400  }
0x33: {  	s24 =	sadd.s32 $0x180, s23;
	[sflag:s13] =	ssyncset.done $0x0  }
0x34: {  	s23 =	simm.s32 $0x1580;
	s22 =	simm.s32 $0x2;
	[sflag:s13] =	ssyncadd.s32 $0xFFFFEC00  }
.LBB2_2:
0x35: {  	[tilespmem:s18], [sflag:$0x2] =	stream.indirect.gather [spmem:s3], $0x28, s24, s16, $0xb8;
	[tilespmem:$0x11800] =	vst v63  }
0x36: {  	s24 =	smov.u32 s22  }
0x37: {  	p0 =	sne.s32 s22, $0x26;
	s22 =	sadd.s32 $0x2, s22;
	_ =	swait.ge [sflag:s19], $0x1400  }
0x38: {  	[sflag:s19] =	ssyncset.done $0x0  }
0x39: {  	s25 =	sadd.s32 $0xFFFFFF80, s23;
	[sflag:s19] =	ssyncadd.s32 $0xFFFFEC00  }
0x3a: {  	[spmem:s2] =	stream.indirect.scatter.add.f32 [tilespmem:s17], [sflag:$0x3], $0x28, s25, s16, $0xb8;
	[tilespmem:$0x11800] =	vst v63  }
0x3b: {  	s24 =	smin.u32 s24, $0x24;
	_ =	swait.ge [sflag:s13], $0x1400  }
0x3c: {  	s24 =	sshll.u32 s24, $0x7;
	[sflag:s13] =	ssyncset.done $0x0  }
0x3d: {  	s25 =	sadd.s32 $0x100, s24;
	[sflag:s13] =	ssyncadd.s32 $0xFFFFEC00  }
0x3e: {  	[tilespmem:s17], [sflag:$0x1] =	stream.indirect.gather [spmem:s3], $0x28, s25, s16, $0xb8;
	[tilespmem:$0x11800] =	vst v63  }
0x3f: {  	_ =	swait.ge [sflag:s20], $0x1400  }
0x40: {  	[sflag:s20] =	ssyncset.done $0x0  }
.Ltmp0:
0x41: {  	[sflag:s20] =	ssyncadd.s32 $0xFFFFEC00;
	(pc) =	sbr.rel @p0 .LBB2_2-.Ltmp0, $4  }
0x42: {  	[spmem:s2] =	stream.indirect.scatter.add.f32 [tilespmem:s18], [sflag:$0x3], $0x28, s23, s16, $0xb8;
	[tilespmem:$0x11800] =	vst v63  }
0x43: {  	_ =	swait.ge [sflag:s13], $0x1400  }
0x44: {  	[sflag:s13] =	ssyncset.done $0x0  }
0x45: {  	s24 =	sadd.s32 $0x180, s24;
	s23 =	sadd.s32 $0x100, s23;
	[sflag:s13] =	ssyncadd.s32 $0xFFFFEC00  }
0x46: {  	[tilespmem:s18], [sflag:$0x2] =	stream.indirect.gather [spmem:s3], $0x28, s24, s16, $0xb8;
	[tilespmem:$0x11800] =	vst v63  }
0x47: {  	_ =	swait.ge [sflag:s19], $0x1400  }
0x48: {  	[sflag:s19] =	ssyncset.done $0x0  }
0x49: {  	[sflag:s19] =	ssyncadd.s32 $0xFFFFEC00  }
0x4a: {  	_ =	swait.ge [sflag:s20], $0x1400  }
0x4b: {  	s21 =	sadd.s32 $0x1, s21;
	[sflag:s20] =	ssyncset.done $0x0  }
0x4c: {  	p0 =	sne.s32 s21, s11;
	[sflag:s20] =	ssyncadd.s32 $0xFFFFEC00  }
.Ltmp1:
0x4d: {  	[bflag:$0x0] =	sbarrier.arrive $0xFFFF;
	(pc) =	sbr.rel @p0 .LBB2_1-.Ltmp1, $4  }
0x4e: {  	[hbm:s10], [sflag:s6] =	dma.local [spmem:s12], $0xC80  }
0x4f: {  	_ =	swait.ge [sflag:s13], $0xC80  }
0x50: {  	[sflag:s13] =	ssyncset.done $0x0  }
0x51: {  	[sflag:s13] =	ssyncadd.s32 $0xFFFFF380  }
0x52: {  	_ =	sfence.sel $0x180000  }
0x53: {  	[bflag:$0x0] =	sbarrier.arrive $0xFFFF  }
0x54: {  	p0 =	sne.s32 s1, $0x0;
	_ =	strace $0x9000004D  }
0x55: {  	s0 =	sadd.s32 @!p0 $0x100000, s0;
	[bflag:$0x2] =	sbarrier.arrive $0xFFFF  }
0x56: {  	[sflag:s0] =	ssyncadd.tile.s32 @!p0 $0x1;
	_ =	shalt  }
.Lfunc_end2:
_tile_overlayer_lowered:
.L_overlay_start_2:
0x57: {  	(tag) =	ssettag $0x2  }
0x58: {  	s0 =	rddreg [dreg:$0x0];
	s2 =	stileid.u32  }
0x59: {  	s1 =	rddreg [dreg:$0x1];
	p0 =	sne.s32 s2, $0x0  }
0x5a: {  	s3 =	rddreg [dreg:$0x2];
	[bflag:$0x3] =	sbarrier.arrive $0xFFFF;
	s2 =	simm.s32 @!p0 $0x1C03  }
0x5b: {  	[timem:s3], [sflag:s2] =	dma.local @!p0 [hbm:s0], s1  }
0x5c: {  	s0 =	simm.s32 @!p0 $0x3  }
0x5d: {  	_ =	swait.ge @!p0 [sflag:s0], s1  }
0x5e: {  	s1 =	ssub.s32 @!p0 $0x0, s1;
	[sflag:s0] =	ssyncset.done @!p0 $0x0  }
0x5f: {  	[sflag:s0] =	ssyncadd.s32 @!p0 s1  }
0x60: {  	[bflag:$0x3] =	sbarrier.arrive $0xFFFF  }
0x61: {  	_ =	shalt  }

// kernel: kernel.9.cloned.1.call-start
scs
__scs_entry_jumppad:
0x0: {  	(pc) =	sbr.rel $0x88, $3  }
0x1: {  	(tag) =	ssettag $0x0;
	lr =	simm.s32 $0x1  }
0x2: {  	[smem:$0x3F99] =	sst lr;
	_ =	strace $0xD0000000  }
0x3: {  	_ = 	snop  }
0x4: {  	_ = 	snop  }
0x5: {  	_ = 	snop  }
0x6: {  	_ = 	snop  }
0x7: {  	_ = 	snop  }
__scs_overlays_trampoline_lowered:
0x8: {  	[smem:$0x3FA8] =	sst s0  }
0x9: {  	[smem:$0x3FA9] =	sst s1  }
0xa: {  	[smem:$0x3FAA] =	sst s2  }
0xb: {  	[smem:$0x3FAB] =	sst s3  }
0xc: {  	[smem:$0x3FAC] =	sst s4  }
0xd: {  	[smem:$0x3FAD] =	sst s5  }
0xe: {  	[smem:$0x3FAE] =	sst s6  }
0xf: {  	[smem:$0x3FAF] =	sst s7  }
0x10: {  	[smem:$0x3FB0] =	sst s8  }
0x11: {  	[smem:$0x3FB1] =	sst s9;
	s0 =	simm.s32 @!p0 $0x0  }
0x12: {  	s1 =	sld [smem:$0x3F97];
	s0 =	simm.s32 @p0 $0x1  }
0x13: {  	[smem:$0x3FB2] =	sst s0;
	s0 =	simm.s32 @!p1 $0x0  }
0x14: {  	s2 =	sld [smem:$0x3F96];
	s0 =	simm.s32 @p1 $0x1  }
0x15: {  	[smem:$0x3FB3] =	sst s0;
	s0 =	simm.s32 @!p2 $0x0  }
0x16: {  	s3 =	sld [smem:$0x3FDB];
	s0 =	simm.s32 @p2 $0x1  }
0x17: {  	s4 =	simm.s32 $0x1BF5;
	[smem:$0x3FB5] =	sst s0  }
0x18: {  	s0 =	sld [smem:$0x3F98];
	_ =	swait.ge [sflag:s4], $0x0  }
0x19: {  	s7 =	sld [smem:$0x3F99]  }
0x1a: {  	s8 =	sadd.s32 $0xFFFFE003, lr  }
0x1b: {  	s9 =	sadd.s32 $0xFFFFFEF7, lr;
	s5 =	simm.s32 $0xFFFFFFFF;
	p2 =	slt.u32 s8, $0xFFFFF086  }
0x1c: {  	p1 =	slt.u32 s9, $0xF7A;
	s5 =	simm.s32 @!p2 $0x0  }
0x1d: {  	s5 =	simm.s32 @p1 $0x1;
	p0 =	seq.s32 s7, s2  }
0x1e: {  	s7 =	smul.u32 @!p0 $0xF7A, s2;
	p2 =	seq.s32 @!p0 s5, $0x0  }
0x1f: {  	s9 =	smul.u32 $0xF7A, s1;
	s8 =	simm.s32 @!p0 $0x1BF5;
	p2 =	por !p2, p0  }
0x20: {  	[sflag:s8] =	ssyncset.s32 @!p0 $0xFFFFF086;
	s6 =	sadd.s32 @!p0 s3, s7;
	s7 =	simm.s32 @!p0 $0x108  }
0x21: {  	s3 =	sadd.s32 s3, s9;
	s6 =	sadd.s32 @!p0 $0x88, s6;
	s7 =	simm.s32 @p2 $0x1082  }
0x22: {  	[simem:s7], [sflag:s8] =	dma.local @!p0 [hbm:s6], $0xF7A  }
0x23: {  	s9 =	sor.u32 $0xD0000000, s2;
	s6 =	simm.s32 $0x108;
	_ =	swait.ge @!p0 [sflag:s8], $0x0  }
0x24: {  	s3 =	sadd.s32 $0x88, s3;
	s6 =	simm.s32 @!p1 $0x1082;
	[sflag:s4] =	ssyncset.s32 $0xFFFFF086  }
0x25: {  	[simem:s6], [sflag:s4] =	dma.local [hbm:s3], $0xF7A  }
0x26: {  	[smem:$0x3F99] =	sst s1;
	(tag) =	ssettag s2;
	_ =	strace s9  }
0x27: {  	s1 =	sld [smem:$0x3FA9]  }
0x28: {  	s2 =	sld [smem:$0x3FAA]  }
0x29: {  	s4 =	sld [smem:$0x3FAC]  }
0x2a: {  	p0 =	seq.s32 s5, $0x0;
	s5 =	sld [smem:$0x3FAD]  }
0x2b: {  	s6 =	sld [smem:$0x3FAE]  }
0x2c: {  	s7 =	sld [smem:$0x3FAF]  }
0x2d: {  	s3 =	simm.s32 $0x108;
	s8 =	sld [smem:$0x3FB0]  }
0x2e: {  	s3 =	simm.s32 @!p0 $0x1082;
	s9 =	sld [smem:$0x3FB1]  }
0x2f: {  	lr =	sadd.s32 s0, s3;
	s0 =	sld [smem:$0x3FA8]  }
0x30: {  	s3 =	sld [smem:$0x3FAB]  }
0x31: {  	[smem:$0x3FB4] =	sst s10  }
0x32: {  	s10 =	sld [smem:$0x3FB2];
	_ =	sdelay $0x3  }
0x33: {  	p0 =	seq.s32 s10, $0x1;
	s10 =	sld [smem:$0x3FB4];
	_ =	sdelay $0x3  }
0x34: {  	[smem:$0x3FB4] =	sst s10  }
0x35: {  	s10 =	sld [smem:$0x3FB3];
	_ =	sdelay $0x3  }
0x36: {  	p1 =	seq.s32 s10, $0x1;
	s10 =	sld [smem:$0x3FB4];
	_ =	sdelay $0x3  }
0x37: {  	[smem:$0x3FB4] =	sst s10  }
0x38: {  	s10 =	sld [smem:$0x3FB5]  }
0x39: {  	_ = 	snop;
	(pc) =	sbr.ind lr, $3  }
0x3a: {  	_ = 	snop  }
0x3b: {  	_ = 	snop  }
0x3c: {  	p2 =	seq.s32 s10, $0x1;
	s10 =	sld [smem:$0x3FB4]  }
0x3d: {  	_ =	shalt  }
0x3e: {  	_ =	shalt  }
0x3f: {  	_ =	shalt  }
0x40: {  	_ =	shalt  }
0x41: {  	_ =	shalt  }
0x42: {  	_ =	shalt  }
0x43: {  	_ =	shalt  }
0x44: {  	_ =	shalt  }
0x45: {  	_ =	shalt  }
0x46: {  	_ =	shalt  }
0x47: {  	_ =	shalt  }
0x48: {  	_ =	shalt  }
0x49: {  	_ =	shalt  }
0x4a: {  	_ =	shalt  }
0x4b: {  	_ =	shalt  }
0x4c: {  	_ =	shalt  }
0x4d: {  	_ =	shalt  }
0x4e: {  	_ =	shalt  }
0x4f: {  	_ =	shalt  }
0x50: {  	_ =	shalt  }
0x51: {  	_ =	shalt  }
0x52: {  	_ =	shalt  }
0x53: {  	_ =	shalt  }
0x54: {  	_ =	shalt  }
0x55: {  	_ =	shalt  }
0x56: {  	_ =	shalt  }
0x57: {  	_ =	shalt  }
0x58: {  	_ =	shalt  }
0x59: {  	_ =	shalt  }
0x5a: {  	_ =	shalt  }
0x5b: {  	_ =	shalt  }
0x5c: {  	_ =	shalt  }
0x5d: {  	_ =	shalt  }
0x5e: {  	_ =	shalt  }
0x5f: {  	_ =	shalt  }
0x60: {  	_ =	shalt  }
0x61: {  	_ =	shalt  }
0x62: {  	_ =	shalt  }
0x63: {  	_ =	shalt  }
0x64: {  	_ =	shalt  }
0x65: {  	_ =	shalt  }
0x66: {  	_ =	shalt  }
0x67: {  	_ =	shalt  }
0x68: {  	_ =	shalt  }
0x69: {  	_ =	shalt  }
0x6a: {  	_ =	shalt  }
0x6b: {  	_ =	shalt  }
0x6c: {  	_ =	shalt  }
0x6d: {  	_ =	shalt  }
0x6e: {  	_ =	shalt  }
0x6f: {  	_ =	shalt  }
0x70: {  	_ =	shalt  }
0x71: {  	_ =	shalt  }
0x72: {  	_ =	shalt  }
0x73: {  	_ =	shalt  }
0x74: {  	_ =	shalt  }
0x75: {  	_ =	shalt  }
0x76: {  	_ =	shalt  }
0x77: {  	_ =	shalt  }
0x78: {  	_ =	shalt  }
0x79: {  	_ =	shalt  }
0x7a: {  	_ =	shalt  }
0x7b: {  	_ =	shalt  }
0x7c: {  	_ =	shalt  }
0x7d: {  	_ =	shalt  }
0x7e: {  	_ =	shalt  }
0x7f: {  	_ =	shalt  }
0x80: {  	_ =	shalt  }
0x81: {  	_ =	shalt  }
0x82: {  	_ =	shalt  }
0x83: {  	_ =	shalt  }
0x84: {  	_ =	shalt  }
0x85: {  	_ =	shalt  }
0x86: {  	_ =	shalt  }
0x87: {  	_ =	shalt  }
.Lfunc_end0:
.L_simem_size_0:
called_computation_lowered:
.L_overlay_start_0:
0x88: {  	s2 =	sld [smem:$0x3FD9]  }
0x89: {  	s3 =	sld [smem:$0x3FFE];
	_ =	sdelay $0x1  }
0x8a: {  	s1 =	srdreg.scid  }
0x8b: {  	s0 =	sand.u32 $0x1, s1  }
0x8c: {  	s16 =	sshll.u32 s0, $0xA;
	s2 =	sadd.s32 s3, s2  }
0x8d: {  	s2 =	sadd.s32 s2, s16  }
0x8e: {  	[smem:$0x3FC0] =	sst s2  }
0x8f: {  	_ = 	snop  }
0x90: {  	(tm) =	ssettm $0x1  }
0x91: {  	s17 =	sld [smem:$0x3FFB];
	_ =	sdelay $0x3  }
0x92: {  	_ =	strace s17  }
0x93: {  	s2 =	sld [smem:$0x3FFC];
	_ =	sdelay $0x3  }
0x94: {  	_ =	strace s2  }
0x95: {  	s2 =	sld [smem:$0x3FFD];
	_ =	sdelay $0x3  }
0x96: {  	_ =	strace s2  }
0x97: {  	_ =	strace $0x8FFFFFFF  }
0x98: {  	s18 =	sld [smem:$0x3FDB];
	_ =	sdelay $0x1  }
0x99: {  	s19 =	simm.s32 $_scs_section_size  }
0x9a: {  	s4 =	simm.s32 $_size__tile_overlayer_lowered;
	s5 =	simm.s32 $_tile_overlayer_lowered  }
0x9b: {  	s22 =	simm.s32 $0x1BFF;
	s21 =	sshll.u32 s5, $0x1;
	s2 =	sadd.s32 s19, s18  }
0x9c: {  	s6 =	simm.s32 $0x0;
	s20 =	sshll.u32 s4, $0x1;
	s4 =	sadd.s32 s21, s2  }
0x9d: {  	[timem:s6], [sflag:s22] =	dma.local [hbm:s4], s20  }
0x9e: {  	_ =	swait.ge [sflag:s22], s20  }
0x9f: {  	s3 =	ssub.s32 $0x0, s20;
	[sflag:s22] =	ssyncset.done $0x0  }
0xa0: {  	[sflag:s22] =	ssyncadd.s32 s3;
	_ =	sdelay $0x1  }
0xa1: {  	s23 =	simm.s32 $0x1B8B  }
0xa2: {  	_ =	swait.ge [sflag:s23], $0x1  }
0xa3: {  	[sflag:s23] =	ssyncset.done $0x0  }
0xa4: {  	s25 =	simm.s32 $0x1B8E;
	s24 =	sld [smem:$0x3FFE];
	[sflag:s23] =	ssyncadd.s32 $0xFFFFFFFF  }
0xa5: {  	s26 =	simm.s32 $execute0_lowered;
	[smem:$0x3FD2] =	sst s25  }
0xa6: {  	s4 =	sshll.u32 s26, $0x1;
	_ =	strace $0x80000046;
	[dreg:$0x1] =	wrdreg $0xFFFFFFFF  }
0xa7: {  	s28 =	simm.s32 $_size_execute0_lowered;
	s2 =	sadd.s32 s2, s4;
	[dreg:$0x0] =	wrdreg $0x0  }
0xa8: {  	s4 =	sshll.u32 s28, $0x1;
	[dreg:$0x2] =	wrdreg s2  }
0xa9: {  	[dreg:$0x3] =	wrdreg s4  }
0xaa: {  	[dreg:$0x4] =	wrdreg $0xC0  }
0xab: {  	_ =	task [dreg:s6], $0x5FFFF  }
0xac: {  	[dreg:$0x1] =	wrdreg $0xFFFFFFFF  }
0xad: {  	[dreg:$0x0] =	wrdreg $0x60  }
0xae: {  	[dreg:$0x2] =	wrdreg s24  }
0xaf: {  	[dreg:$0x3] =	wrdreg $0x54000  }
0xb0: {  	[dreg:$0x4] =	wrdreg $0x9  }
0xb1: {  	_ =	task.clear_ibuf [dreg:s6], $0x5FFFF;
	_ =	strace $0x90000046  }
0xb2: {  	s29 =	simm.s32 $0x9;
	_ =	strace $0x80000048  }
0xb3: {  	_ =	swait.ge [sflag:s29], $0x1  }
0xb4: {  	[sflag:s29] =	ssyncadd.s32 $0xFFFFFFFF  }
0xb5: {  	_ =	strace $0x90000048  }
0xb6: {  	_ =	sfence  }
0xb7: {  	s30 =	sld [smem:$0x0];
	_ =	sdelay $0x2  }
0xb8: {  	s31 =	sshll.u32 s1, $0xD;
	s1 =	sshrl.u32 s1, $0x2  }
0xb9: {  	s3 =	sand.u32 $0x4000, s31;
	s1 =	sadd.s32 s1, s30  }
0xba: {  	s0 =	sor.u32 s3, s0;
	s1 =	sshll.u32 s1, $0x11  }
0xbb: {  	s0 =	sor.u32 s1, s0  }
0xbc: {  	s0 =	sadd.s32 $0x8F2B, s0  }
0xbd: {  	[sflag:s0] =	ssyncadd.remote.s32 $0x1  }
0xbe: {  	_ =	sfence.sel $0xFFFF  }
0xbf: {  	[dreg:$0x0] =	wrdreg $0xFFFFFFFF;
	(pc) =	sbr.abs _section_cstart, $3  }
0xc0: {  	[dreg:$0x1] =	wrdreg $0xFFFFFFFF  }
0xc1: {  	_ =	task.clear_ibuf [dreg:s6], $0x2FFFF;
	_ =	strace $0x9FFFFFFF  }
0xc2: {  	(tm) =	ssettm $0x7FFFFFFF  }
0xc3: {  	_ =	shalt  }
tec
execute0_lowered:
.L_overlay_start_1:
0x0: {  	(tag) =	ssettag $0x1  }
0x1: {  	s0 =	srdreg.scid;
	s6 =	rddreg [dreg:$0x0]  }
0x2: {  	s2 =	rddreg [dreg:$0x1];
	s5 =	sand.u32 $0x1, s0;
	s0 =	stileid.u32  }
0x3: {  	s3 =	simm.s32 $0x0;
	s14 =	simm.s32 $0x0;
	s7 =	smul.u32 $0x14000, s0  }
0x4: {  	[smem:$0x7FF] =	sst s3;
	s1 =	sshll.u32 s5, $0x4;
	s8 =	smul.u32 $0x140000, s5  }
0x5: {  	s5 =	ssub.s32 $0x2, s5;
	s29 =	smul.u32 $0x50000, s0;
	s31 =	sshll.u32 s0, $0x6  }
0x6: {  	s4 =	sor.u32 s0, s1;
	s1 =	rddreg [dreg:$0x2];
	_ =	strace $0x80000047  }
0x7: {  	s11 =	sshrl.u32 s5, $0x1;
	s4 =	smul.u32 $0x280, s4;
	s10 =	sshrl.u32 s7, $0x3  }
0x8: {  	s7 =	sadd.s32 s7, s8;
	s11 =	ssub.s32 s5, s11;
	s30 =	sshrl.u32 s29, $0x2  }
0x9: {  	s10 =	sadd.s32 s10, s6;
	s7 =	sshrl.u32 s7, $0x3;
	s13 =	sadd.s32 s30, s2  }
0xa: {  	s9 =	sadd.s32 s4, s6;
	s4 =	sadd.s32 $0x30400, s6;
	s12 =	sadd.s32 s7, s6  }
0xb: {  	s5 =	sadd.s32 $0x8400, s10;
	s6 =	sor.u32 $0x1C01, s31;
	s10 =	sshrl.u32 s13, $0x3  }
0xc: {  	s13 =	simm.s32 $0x80;
	s7 =	sadd.s32 $0x3400, s9;
	s8 =	sadd.s32 $0x30C00, s12  }
0xd: {  	s9 =	smax.u32 s11, $0x1;
	s11 =	simm.s32 $0x1;
	s12 =	simm.s32 $0x1400  }
.LBB2_1:
0xe: {  	[spmem:s10], [sflag:s6] =	dma.local [hbm:s5], $0x2800  }
0xf: {  	_ =	swait.ge [sflag:s11], $0x2800  }
0x10: {  	[sflag:s11] =	ssyncset.done $0x0  }
0x11: {  	[sflag:s11] =	ssyncadd.s32 $0xFFFFD800  }
0x12: {  	[tilespmem:s12], [sflag:$0x1] =	stream.linear.gather [hbm4b:s4+s3], $0x4000, $0x38;
	[tilespmem:$0x19400] =	vst v63  }
0x13: {  	_ =	swait.ge [sflag:s11], $0x4000  }
0x14: {  	[sflag:s11] =	ssyncset.done $0x0  }
0x15: {  	[sflag:s11] =	ssyncadd.s32 $0xFFFFC000  }
0x16: {  	[tilespmem:s3], [sflag:$0x1] =	stream.linear.gather [hbm4b:s7+s3], $0x1400, $0x38;
	[tilespmem:$0x19400] =	vst v63  }
0x17: {  	_ =	swait.ge [sflag:s11], $0x1400  }
0x18: {  	[sflag:s11] =	ssyncset.done $0x0  }
0x19: {  	[sflag:s11] =	ssyncadd.s32 $0xFFFFEC00  }
0x1a: {  	s15 =	simm.s32 $0x0;
	[bflag:$0x0] =	sbarrier.arrive $0xFFFF  }
0x1b: {  	[spmem:s2] =	stream.indirect.scatter.add.f32 [tilespmem:s12], [sflag:$0x1], $0x80, s15, s13, $0xb8;
	[tilespmem:$0x19400] =	vst v63  }
0x1c: {  	_ =	swait.ge [sflag:s11], $0x4000  }
0x1d: {  	s15 =	simm.s32 $0x200;
	[sflag:s11] =	ssyncset.done $0x0  }
.LBB2_2:
0x1e: {  	s16 =	sshra.s32 s15, $0x2;
	[sflag:s11] =	ssyncadd.s32 $0xFFFFC000;
	p0 =	sne.s32 s15, $0x4E00  }
0x1f: {  	[spmem:s2] =	stream.indirect.scatter.add.f32 [tilespmem:s12], [sflag:$0x1], $0x80, s16, s13, $0xb8;
	[tilespmem:$0x19400] =	vst v63  }
.Ltmp0:
0x20: {  	_ = 	snop;
	(pc) =	sbr.rel @p0 .LBB2_2-.Ltmp0, $4  }
0x21: {  	_ = 	snop  }
0x22: {  	s15 =	sadd.s32 $0x200, s15  }
0x23: {  	_ =	swait.ge [sflag:s11], $0x4000  }
0x24: {  	[sflag:s11] =	ssyncset.done $0x0  }
0x25: {  	s14 =	sadd.s32 $0x1, s14  }
0x26: {  	[sflag:s11] =	ssyncadd.s32 $0xFFFFC000;
	p0 =	sne.s32 s14, s9  }
.Ltmp1:
0x27: {  	[bflag:$0x0] =	sbarrier.arrive $0xFFFF;
	(pc) =	sbr.rel @p0 .LBB2_1-.Ltmp1, $4  }
0x28: {  	[hbm:s8], [sflag:s6] =	dma.local [spmem:s10], $0x2800  }
0x29: {  	_ =	swait.ge [sflag:s11], $0x2800  }
0x2a: {  	[sflag:s11] =	ssyncset.done $0x0  }
0x2b: {  	[sflag:s11] =	ssyncadd.s32 $0xFFFFD800  }
0x2c: {  	_ =	sfence.sel $0x180000  }
0x2d: {  	[bflag:$0x0] =	sbarrier.arrive $0xFFFF  }
0x2e: {  	p0 =	sne.s32 s0, $0x0;
	_ =	strace $0x90000047  }
0x2f: {  	s0 =	sadd.s32 @!p0 $0x100000, s1;
	[bflag:$0x2] =	sbarrier.arrive $0xFFFF  }
0x30: {  	[sflag:s0] =	ssyncadd.tile.s32 @!p0 $0x1;
	_ =	shalt  }
.Lfunc_end2:
_tile_overlayer_lowered:
.L_overlay_start_2:
0x31: {  	(tag) =	ssettag $0x2  }
0x32: {  	s0 =	rddreg [dreg:$0x0];
	s2 =	stileid.u32  }
0x33: {  	s1 =	rddreg [dreg:$0x1];
	p0 =	sne.s32 s2, $0x0  }
0x34: {  	s3 =	rddreg [dreg:$0x2];
	[bflag:$0x3] =	sbarrier.arrive $0xFFFF;
	s2 =	simm.s32 @!p0 $0x1C01  }
0x35: {  	[timem:s3], [sflag:s2] =	dma.local @!p0 [hbm:s0], s1  }
0x36: {  	s0 =	simm.s32 @!p0 $0x1  }
0x37: {  	_ =	swait.ge @!p0 [sflag:s0], s1  }
0x38: {  	s1 =	ssub.s32 @!p0 $0x0, s1;
	[sflag:s0] =	ssyncset.done @!p0 $0x0  }
0x39: {  	[sflag:s0] =	ssyncadd.s32 @!p0 s1  }
0x3a: {  	[bflag:$0x3] =	sbarrier.arrive $0xFFFF  }
0x3b: {  	_ =	shalt  }

</sc_bundles>
